<compile_context>
chip_gen: v7x
topology: tpu7x:2x2x1
jax: 0.10.2.dev20260603
libtpu: 0.0.44.dev20260713+nightly
codegen_flags: <defaults>
</compile_context>

<pallas_src>
import functools

import jax
import jax.numpy as jnp
from jax import lax
from jax.experimental import pallas as pl
from jax.experimental.pallas import tpu as pltpu
from jax.experimental.pallas import tpu_sc as plsc

B = 1048576
W = 10
NUM_ROWS = 1024
L = 16

CHW = 2048
UNROLL = 32


def _encoder_body(bits_hbm, mat_hbm, out_hbm,
                  tab_v, bits_v0, bits_v1, out_v0, out_v1,
                  isem0, isem1, osem0, osem1, nc, ns):
    nw = nc * ns
    rpt = B // nw
    nchunk = rpt // CHW
    npair = nchunk // 2

    wid = lax.axis_index("s") * nc + lax.axis_index("c")
    col0 = wid * rpt

    zeros = jnp.zeros((L,), jnp.int32)
    ones = jnp.full((L,), 1, jnp.int32)

    def in_desc(c, buf, sem):
        return pltpu.make_async_copy(
            bits_hbm.at[:, pl.ds(col0 + c * CHW, CHW)], buf, sem)

    def out_desc(c, buf, sem):
        return pltpu.make_async_copy(
            buf, out_hbm.at[:, pl.ds(col0 + c * CHW, CHW)], sem)

    pltpu.sync_copy(mat_hbm, tab_v)

    def _sq_body(j, acc):
        re = tab_v[0, pl.ds(j * L, L)]
        im = tab_v[1, pl.ds(j * L, L)]
        return acc + re * re + im * im

    sq = lax.fori_loop(0, NUM_ROWS // L, _sq_body, jnp.zeros((L,), jnp.float32))

    mean_mag = jnp.sum(sq) * (1.0 / NUM_ROWS)
    mvec = jnp.full((L,), mean_mag)
    y = plsc.bitcast(jnp.full((L,), 0x5F3759DF, jnp.int32)
                     - (plsc.bitcast(mvec, jnp.int32) >> 1), jnp.float32)
    for _ in range(4):
        y = y * (1.5 - 0.5 * mvec * y * y)
    inv_nf = y

    def compute_chunk(bits_v, out_v):
        @plsc.parallel_loop(0, CHW // L, unroll=UNROLL)
        def _inner(i):
            cb = i * L
            c = [bits_v[k, pl.ds(cb, L)] for k in range(W)]
            s0 = c[0] * 512.0 + c[1] * 256.0
            s1 = c[2] * 128.0 + c[3] * 64.0
            s2 = c[4] * 32.0 + c[5] * 16.0
            s3 = c[6] * 8.0 + c[7] * 4.0
            s4 = c[8] * 2.0 + c[9]
            idx = ((s0 + s1) + (s2 + s3) + s4).astype(jnp.int32)
            re = plsc.load_gather(tab_v, [zeros, idx]) * inv_nf
            im = plsc.load_gather(tab_v, [ones, idx]) * inv_nf
            out_v[0, pl.ds(cb, L)] = re
            out_v[1, pl.ds(cb, L)] = im

    in_desc(0, bits_v0, isem0).start()

    def pair_body(p, carry):
        c0 = 2 * p
        in_desc(c0 + 1, bits_v1, isem1).start()
        in_desc(c0, bits_v0, isem0).wait()

        @pl.when(p > 0)
        def _():
            out_desc(c0 - 2, out_v0, osem0).wait()
        compute_chunk(bits_v0, out_v0)
        out_desc(c0, out_v0, osem0).start()

        @pl.when(p + 1 < npair)
        def _():
            in_desc(c0 + 2, bits_v0, isem0).start()
        in_desc(c0 + 1, bits_v1, isem1).wait()

        @pl.when(p > 0)
        def _():
            out_desc(c0 - 1, out_v1, osem1).wait()
        compute_chunk(bits_v1, out_v1)
        out_desc(c0 + 1, out_v1, osem1).start()
        return carry

    lax.fori_loop(0, npair, pair_body, 0)
    out_desc(nchunk - 2, out_v0, osem0).wait()
    out_desc(nchunk - 1, out_v1, osem1).wait()


def kernel(bit_sequence, matrix):
    mesh = plsc.VectorSubcoreMesh(core_axis_name="c", subcore_axis_name="s")
    nc, ns = mesh.num_cores, mesh.num_subcores
    body = functools.partial(_encoder_body, nc=nc, ns=ns)
    run = pl.kernel(
        body,
        out_type=jax.ShapeDtypeStruct((2, B), jnp.float32),
        mesh=mesh,
        scratch_types=[
            pltpu.VMEM((2, NUM_ROWS), jnp.float32),
            pltpu.VMEM((W, CHW), jnp.float32),
            pltpu.VMEM((W, CHW), jnp.float32),
            pltpu.VMEM((2, CHW), jnp.float32),
            pltpu.VMEM((2, CHW), jnp.float32),
            pltpu.SemaphoreType.DMA,
            pltpu.SemaphoreType.DMA,
            pltpu.SemaphoreType.DMA,
            pltpu.SemaphoreType.DMA,
        ],
        compiler_params=pltpu.CompilerParams(
            needs_layout_passes=False, use_tc_tiling_on_sc=True),
    )
    out_t = run(bit_sequence.T, matrix.T)
    return out_t.T

# --- scband reference (transcript-rebuilt; emitter-appended) ---
"""Pipeline reference for scband-encoder-16724602651243 (READ-ONLY COPY).

The authoritative reference and input builder live on the scoring server;
editing this copy changes nothing except your own understanding.
"""

import jax, jax.numpy as jnp
import numpy as np

NUM_ROWS = 1024
BATCH = 1048576
W = 10  # log2(NUM_ROWS)


def gray_qam_table(M):
    # Gray-mapped square QAM constellation, matching tu.grayMapping(M, 'qam') semantics
    m = int(np.sqrt(M))
    nbits = int(np.log2(m))
    idx = np.arange(m)
    gray = idx ^ (idx >> 1)
    levels = (2 * idx - (m - 1)).astype(np.float32)
    lev = np.empty(m, dtype=np.float32)
    lev[gray] = levels
    all_idx = np.arange(M)
    i_bits = all_idx >> nbits
    q_bits = all_idx & (m - 1)
    table = np.stack([lev[i_bits], lev[q_bits]], axis=1)  # [M, 2] (real, imag)
    return table


def setup_inputs(seed: int = 0) -> dict:
    key = jax.random.key(seed)
    k1, _ = jax.random.split(key)
    bit_sequence = jax.random.randint(k1, (BATCH, W), 0, 2).astype(jnp.float32)
    matrix = jnp.asarray(gray_qam_table(NUM_ROWS), dtype=jnp.float32)  # learned param, gray-QAM init
    return {"bit_sequence": bit_sequence, "matrix": matrix}


def reference(bit_sequence, matrix):
    w = bit_sequence.shape[1]
    powers_of_two = jnp.power(2.0, jnp.arange(w - 1, -1, -1, dtype=jnp.float32))
    # map_bits_to_index
    index = jnp.matmul(bit_sequence, powers_of_two).astype(jnp.int32)
    # embedding lookup (gather)
    logits = jnp.take(matrix, index, axis=0)
    # normalize_matrix uses .detach() -> stop_gradient
    cstl = jax.lax.stop_gradient(matrix)
    mean_mag_sq = jnp.mean(cstl[:, 0] ** 2 + cstl[:, 1] ** 2)
    NF = jnp.sqrt(mean_mag_sq)
    return logits / NF

if __name__ == "__main__":
    import jax
    _d = setup_inputs()
    print(jax.jit(kernel)(*tuple(_d.values())))

</pallas_src>

<mosaic_0001>
#map = affine_map<(d0, d1) -> (0, 0)>
module attributes {stable_mosaic.version = 14 : i64} {
  func.func @_encoder_body(%arg0: i32, %arg1: i32, %arg2: memref<10x1048576xf32, #tpu.memory_space<hbm>>, %arg3: memref<2x1024xf32, #tpu.memory_space<hbm>>, %arg4: memref<2x1048576xf32, #tpu.memory_space<hbm>>, %arg5: memref<2x1024xf32, #tpu.memory_space<vmem>>, %arg6: memref<10x2048xf32, #tpu.memory_space<vmem>>, %arg7: memref<10x2048xf32, #tpu.memory_space<vmem>>, %arg8: memref<2x2048xf32, #tpu.memory_space<vmem>>, %arg9: memref<2x2048xf32, #tpu.memory_space<vmem>>, %arg10: memref<!tpu.dma_semaphore, #tpu.memory_space<semaphore_mem>>, %arg11: memref<!tpu.dma_semaphore, #tpu.memory_space<semaphore_mem>>, %arg12: memref<!tpu.dma_semaphore, #tpu.memory_space<semaphore_mem>>, %arg13: memref<!tpu.dma_semaphore, #tpu.memory_space<semaphore_mem>>) attributes {dimension_semantics = [#tpu.dimension_semantics<core_parallel>, #tpu.dimension_semantics<subcore_parallel>], iteration_bounds = array<i64: 2, 16>, scalar_prefetch = 0 : i64, scratch_operands = 9 : i64, tpu.core_type = #tpu.core_type<sc_vector_subcore>, window_params = [{transform_indices = #map}, {transform_indices = #map}, {transform_indices = #map}]} {
    %mul3A = arith.constant 2 : i32
    %mul3A_0 = arith.muli %arg1, %mul3A : i32
    %add3A = arith.addi %mul3A_0, %arg0 : i32
    %mul3A_1 = arith.constant 32768 : i32
    %mul3A_2 = arith.muli %add3A, %mul3A_1 : i32
    %broadcast_in_dim3A = arith.constant 0 : i32
    %broadcast_in_dim3A_3 = vector.broadcast %broadcast_in_dim3A : i32 to vector<16xi32>
    %broadcast_in_dim3A_4 = arith.constant 1 : i32
    %broadcast_in_dim3A_5 = vector.broadcast %broadcast_in_dim3A_4 : i32 to vector<16xi32>
    "tpu.region"() ({
      %run_scoped3A = tpu.sem_alloc : memref<!tpu.dma_semaphore, #tpu.memory_space<semaphore_mem>>
      tpu.enqueue_dma source(%arg3 : memref<2x1024xf32, #tpu.memory_space<hbm>>) target(%arg5 : memref<2x1024xf32, #tpu.memory_space<vmem>>) target_semaphore(%run_scoped3A : memref<!tpu.dma_semaphore, #tpu.memory_space<semaphore_mem>>)
      tpu.wait_dma2 semaphore(%run_scoped3A : memref<!tpu.dma_semaphore, #tpu.memory_space<semaphore_mem>>) src(%arg3 : memref<2x1024xf32, #tpu.memory_space<hbm>>) dst(%arg5 : memref<2x1024xf32, #tpu.memory_space<vmem>>)
      tpu.yield
    }) : () -> ()
    %broadcast_in_dim3A_6 = arith.constant 0.000000e+00 : f32
    %broadcast_in_dim3A_7 = vector.broadcast %broadcast_in_dim3A_6 : f32 to vector<16xf32>
    %scan3A = arith.constant 0 : i32
    %scan3A_8 = arith.constant 64 : i32
    %scan3A_9 = arith.addi %scan3A, %scan3A_8 : i32
    %scan3A_10 = arith.constant 1 : i32
    %scan3A_11 = scf.for %scan3A_82 = %scan3A to %scan3A_9 step %scan3A_10 iter_args(%scan3A_83 = %broadcast_in_dim3A_7) -> (vector<16xf32>)  : i32 {
      %mul3A_84 = arith.constant 16 : i32
      %mul3A_85 = arith.muli %scan3A_82, %mul3A_84 : i32
      %get3A = arith.constant 0 : i32
      %get3A_86 = arith.index_cast %get3A : i32 to index
      %get3A_87 = arith.index_cast %mul3A_85 : i32 to index
      %get3A_88 = tpu.vector_load %arg5[%get3A_86, %get3A_87] {strides = array<i32>} : memref<2x1024xf32, #tpu.memory_space<vmem>>, vector<16xf32>,
      %mul3A_89 = arith.constant 16 : i32
      %mul3A_90 = arith.muli %scan3A_82, %mul3A_89 : i32
      %get3A_91 = arith.constant 1 : i32
      %get3A_92 = arith.index_cast %get3A_91 : i32 to index
      %get3A_93 = arith.index_cast %mul3A_90 : i32 to index
      %get3A_94 = tpu.vector_load %arg5[%get3A_92, %get3A_93] {strides = array<i32>} : memref<2x1024xf32, #tpu.memory_space<vmem>>, vector<16xf32>,
      %mul3A_95 = arith.mulf %get3A_88, %get3A_88 : vector<16xf32>
      %add3A_96 = arith.addf %scan3A_83, %mul3A_95 : vector<16xf32>
      %mul3A_97 = arith.mulf %get3A_94, %get3A_94 : vector<16xf32>
      %add3A_98 = arith.addf %add3A_96, %mul3A_97 : vector<16xf32>
      scf.yield %add3A_98 : vector<16xf32>
    }
    %scan3A_12 = arith.constant 64 : i32
    %reduce_sum3A = arith.constant true
    %reduce_sum3A_13 = vector.broadcast %reduce_sum3A : i1 to vector<16xi1>
    %reduce_sum3A_14 = tpu.scan <sum>, %scan3A_11 masked %reduce_sum3A_13 : vector<16xf32>, vector<16xi1> -> vector<16xf32>
    %reduce_sum3A_15 = vector.extract %reduce_sum3A_14[15] : f32 from vector<16xf32>
    %mul3A_16 = arith.constant 9.765625E-4 : f32
    %mul3A_17 = arith.mulf %reduce_sum3A_15, %mul3A_16 : f32
    %broadcast_in_dim3A_18 = vector.broadcast %mul3A_17 : f32 to vector<16xf32>
    %broadcast_in_dim3A_19 = arith.constant 1597463007 : i32
    %broadcast_in_dim3A_20 = vector.broadcast %broadcast_in_dim3A_19 : i32 to vector<16xi32>
    %bitcast3A = vector.bitcast %broadcast_in_dim3A_18 : vector<16xf32> to vector<16xi32>
    %shift_right_arithmetic3A = arith.constant 1 : i32
    %shift_right_arithmetic3A_21 = vector.broadcast %shift_right_arithmetic3A : i32 to vector<16xi32>
    %shift_right_arithmetic3A_22 = arith.shrsi %bitcast3A, %shift_right_arithmetic3A_21 : vector<16xi32>
    %sub3A = arith.subi %broadcast_in_dim3A_20, %shift_right_arithmetic3A_22 : vector<16xi32>
    %bitcast3A_23 = vector.bitcast %sub3A : vector<16xi32> to vector<16xf32>
    %mul3A_24 = arith.constant 5.000000e-01 : f32
    %mul3A_25 = vector.broadcast %mul3A_24 : f32 to vector<16xf32>
    %mul3A_26 = arith.mulf %mul3A_25, %broadcast_in_dim3A_18 : vector<16xf32>
    %mul3A_27 = arith.mulf %mul3A_26, %bitcast3A_23 : vector<16xf32>
    %mul3A_28 = arith.mulf %mul3A_27, %bitcast3A_23 : vector<16xf32>
    %sub3A_29 = arith.constant 1.500000e+00 : f32
    %sub3A_30 = vector.broadcast %sub3A_29 : f32 to vector<16xf32>
    %sub3A_31 = arith.subf %sub3A_30, %mul3A_28 : vector<16xf32>
    %mul3A_32 = arith.mulf %bitcast3A_23, %sub3A_31 : vector<16xf32>
    %mul3A_33 = arith.constant 5.000000e-01 : f32
    %mul3A_34 = vector.broadcast %mul3A_33 : f32 to vector<16xf32>
    %mul3A_35 = arith.mulf %mul3A_34, %broadcast_in_dim3A_18 : vector<16xf32>
    %mul3A_36 = arith.mulf %mul3A_35, %mul3A_32 : vector<16xf32>
    %mul3A_37 = arith.mulf %mul3A_36, %mul3A_32 : vector<16xf32>
    %sub3A_38 = arith.constant 1.500000e+00 : f32
    %sub3A_39 = vector.broadcast %sub3A_38 : f32 to vector<16xf32>
    %sub3A_40 = arith.subf %sub3A_39, %mul3A_37 : vector<16xf32>
    %mul3A_41 = arith.mulf %mul3A_32, %sub3A_40 : vector<16xf32>
    %mul3A_42 = arith.constant 5.000000e-01 : f32
    %mul3A_43 = vector.broadcast %mul3A_42 : f32 to vector<16xf32>
    %mul3A_44 = arith.mulf %mul3A_43, %broadcast_in_dim3A_18 : vector<16xf32>
    %mul3A_45 = arith.mulf %mul3A_44, %mul3A_41 : vector<16xf32>
    %mul3A_46 = arith.mulf %mul3A_45, %mul3A_41 : vector<16xf32>
    %sub3A_47 = arith.constant 1.500000e+00 : f32
    %sub3A_48 = vector.broadcast %sub3A_47 : f32 to vector<16xf32>
    %sub3A_49 = arith.subf %sub3A_48, %mul3A_46 : vector<16xf32>
    %mul3A_50 = arith.mulf %mul3A_41, %sub3A_49 : vector<16xf32>
    %mul3A_51 = arith.constant 5.000000e-01 : f32
    %mul3A_52 = vector.broadcast %mul3A_51 : f32 to vector<16xf32>
    %mul3A_53 = arith.mulf %mul3A_52, %broadcast_in_dim3A_18 : vector<16xf32>
    %mul3A_54 = arith.mulf %mul3A_53, %mul3A_50 : vector<16xf32>
    %mul3A_55 = arith.mulf %mul3A_54, %mul3A_50 : vector<16xf32>
    %sub3A_56 = arith.constant 1.500000e+00 : f32
    %sub3A_57 = vector.broadcast %sub3A_56 : f32 to vector<16xf32>
    %sub3A_58 = arith.subf %sub3A_57, %mul3A_55 : vector<16xf32>
    %mul3A_59 = arith.mulf %mul3A_50, %sub3A_58 : vector<16xf32>
    %add3A_60 = arith.constant 0 : i32
    %add3A_61 = arith.addi %mul3A_2, %add3A_60 : i32
    %dma_start3A = arith.constant 0 : i32
    %dma_start3A_62 = tpu.memref_slice %arg2[%dma_start3A, %add3A_61] : memref<10x1048576xf32, #tpu.memory_space<hbm>> -> memref<10x2048xf32, #tpu.memory_space<hbm>>
    %dma_start3A_63 = arith.constant 0 : i32
    %dma_start3A_64 = tpu.memref_slice %arg2[%dma_start3A_63, %add3A_61] : memref<10x1048576xf32, #tpu.memory_space<hbm>> -> memref<10x2048xf32, #tpu.memory_space<hbm>>
    tpu.enqueue_dma source(%dma_start3A_64 : memref<10x2048xf32, #tpu.memory_space<hbm>>) target(%arg6 : memref<10x2048xf32, #tpu.memory_space<vmem>>) target_semaphore(%arg10 : memref<!tpu.dma_semaphore, #tpu.memory_space<semaphore_mem>>)
    %scan3A_65 = arith.constant 0 : i32
    %scan3A_66 = arith.constant 0 : i32
    %scan3A_67 = arith.constant 8 : i32
    %scan3A_68 = arith.addi %scan3A_66, %scan3A_67 : i32
    %scan3A_69 = arith.constant 1 : i32
    scf.for %scan3A_82 = %scan3A_66 to %scan3A_68 step %scan3A_69  : i32 {
      %mul3A_83 = arith.constant 2 : i32
      %mul3A_84 = arith.muli %mul3A_83, %scan3A_82 : i32
      %add3A_85 = arith.constant 1 : i32
      %add3A_86 = arith.addi %mul3A_84, %add3A_85 : i32
      %mul3A_87 = arith.constant 2048 : i32
      %mul3A_88 = arith.muli %add3A_86, %mul3A_87 : i32
      %add3A_89 = arith.addi %mul3A_2, %mul3A_88 : i32
      %dma_start3A_90 = arith.constant 0 : i32
      %dma_start3A_91 = tpu.memref_slice %arg2[%dma_start3A_90, %add3A_89] : memref<10x1048576xf32, #tpu.memory_space<hbm>> -> memref<10x2048xf32, #tpu.memory_space<hbm>>
      %dma_start3A_92 = arith.constant 0 : i32
      %dma_start3A_93 = tpu.memref_slice %arg2[%dma_start3A_92, %add3A_89] : memref<10x1048576xf32, #tpu.memory_space<hbm>> -> memref<10x2048xf32, #tpu.memory_space<hbm>>
      tpu.enqueue_dma source(%dma_start3A_93 : memref<10x2048xf32, #tpu.memory_space<hbm>>) target(%arg7 : memref<10x2048xf32, #tpu.memory_space<vmem>>) target_semaphore(%arg11 : memref<!tpu.dma_semaphore, #tpu.memory_space<semaphore_mem>>)
      %mul3A_94 = arith.constant 2048 : i32
      %mul3A_95 = arith.muli %mul3A_84, %mul3A_94 : i32
      %add3A_96 = arith.addi %mul3A_2, %mul3A_95 : i32
      %dma_wait3A_97 = arith.constant 0 : i32
      %dma_wait3A_98 = tpu.memref_slice %arg2[%dma_wait3A_97, %add3A_96] : memref<10x1048576xf32, #tpu.memory_space<hbm>> -> memref<10x2048xf32, #tpu.memory_space<hbm>>
      %dma_wait3A_99 = arith.constant 0 : i32
      %dma_wait3A_100 = tpu.memref_slice %arg2[%dma_wait3A_99, %add3A_96] : memref<10x1048576xf32, #tpu.memory_space<hbm>> -> memref<10x2048xf32, #tpu.memory_space<hbm>>
      tpu.wait_dma2 semaphore(%arg10 : memref<!tpu.dma_semaphore, #tpu.memory_space<semaphore_mem>>) src(%dma_wait3A_100 : memref<10x2048xf32, #tpu.memory_space<hbm>>) dst(%arg6 : memref<10x2048xf32, #tpu.memory_space<vmem>>)
      %gt3A = arith.constant 0 : i32
      %gt3A_101 = arith.cmpi sgt, %scan3A_82, %gt3A : i32
      %convert_element_type3A = arith.extui %gt3A_101 : i1 to i32
      %cond3A = arith.constant 0 : i32
      %cond3A_102 = arith.cmpi ne, %convert_element_type3A, %cond3A : i32
      scf.if %cond3A_102 {
        %sub3A_144 = arith.constant 2 : i32
        %sub3A_145 = arith.subi %mul3A_84, %sub3A_144 : i32
        %mul3A_146 = arith.constant 2048 : i32
        %mul3A_147 = arith.muli %sub3A_145, %mul3A_146 : i32
        %add3A_148 = arith.addi %mul3A_2, %mul3A_147 : i32
        %dma_wait3A_149 = arith.constant 0 : i32
        %dma_wait3A_150 = tpu.memref_slice %arg4[%dma_wait3A_149, %add3A_148] : memref<2x1048576xf32, #tpu.memory_space<hbm>> -> memref<2x2048xf32, #tpu.memory_space<hbm>>
        %dma_wait3A_151 = arith.constant 0 : i32
        %dma_wait3A_152 = tpu.memref_slice %arg4[%dma_wait3A_151, %add3A_148] : memref<2x1048576xf32, #tpu.memory_space<hbm>> -> memref<2x2048xf32, #tpu.memory_space<hbm>>
        tpu.wait_dma2 semaphore(%arg12 : memref<!tpu.dma_semaphore, #tpu.memory_space<semaphore_mem>>) src(%arg8 : memref<2x2048xf32, #tpu.memory_space<vmem>>) dst(%dma_wait3A_152 : memref<2x2048xf32, #tpu.memory_space<hbm>>)
      } else {
      }
      %parallel_loop3A = arith.constant 0 : i32
      %parallel_loop3A_103 = arith.constant 128 : i32
      %parallel_loop3A_104 = arith.constant 1 : i32
      scf.for %parallel_loop3A_144 = %parallel_loop3A to %parallel_loop3A_103 step %parallel_loop3A_104  : i32 {
        %parallel_loop3A_145 = arith.constant 16 : i32
        %parallel_loop3A_146 = arith.muli %parallel_loop3A_144, %parallel_loop3A_145 : i32
        %parallel_loop3A_147 = arith.constant 0 : i32
        %parallel_loop3A_148 = arith.index_cast %parallel_loop3A_147 : i32 to index
        %parallel_loop3A_149 = arith.index_cast %parallel_loop3A_146 : i32 to index
        %parallel_loop3A_150 = tpu.vector_load %arg6[%parallel_loop3A_148, %parallel_loop3A_149] {strides = array<i32>} : memref<10x2048xf32, #tpu.memory_space<vmem>>, vector<16xf32>,
        %parallel_loop3A_151 = arith.constant 1 : i32
        %parallel_loop3A_152 = arith.index_cast %parallel_loop3A_151 : i32 to index
        %parallel_loop3A_153 = arith.index_cast %parallel_loop3A_146 : i32 to index
        %parallel_loop3A_154 = tpu.vector_load %arg6[%parallel_loop3A_152, %parallel_loop3A_153] {strides = array<i32>} : memref<10x2048xf32, #tpu.memory_space<vmem>>, vector<16xf32>,
        %parallel_loop3A_155 = arith.constant 2 : i32
        %parallel_loop3A_156 = arith.index_cast %parallel_loop3A_155 : i32 to index
        %parallel_loop3A_157 = arith.index_cast %parallel_loop3A_146 : i32 to index
        %parallel_loop3A_158 = tpu.vector_load %arg6[%parallel_loop3A_156, %parallel_loop3A_157] {strides = array<i32>} : memref<10x2048xf32, #tpu.memory_space<vmem>>, vector<16xf32>,
        %parallel_loop3A_159 = arith.constant 3 : i32
        %parallel_loop3A_160 = arith.index_cast %parallel_loop3A_159 : i32 to index
        %parallel_loop3A_161 = arith.index_cast %parallel_loop3A_146 : i32 to index
        %parallel_loop3A_162 = tpu.vector_load %arg6[%parallel_loop3A_160, %parallel_loop3A_161] {strides = array<i32>} : memref<10x2048xf32, #tpu.memory_space<vmem>>, vector<16xf32>,
        %parallel_loop3A_163 = arith.constant 4 : i32
        %parallel_loop3A_164 = arith.index_cast %parallel_loop3A_163 : i32 to index
        %parallel_loop3A_165 = arith.index_cast %parallel_loop3A_146 : i32 to index
        %parallel_loop3A_166 = tpu.vector_load %arg6[%parallel_loop3A_164, %parallel_loop3A_165] {strides = array<i32>} : memref<10x2048xf32, #tpu.memory_space<vmem>>, vector<16xf32>,
        %parallel_loop3A_167 = arith.constant 5 : i32
        %parallel_loop3A_168 = arith.index_cast %parallel_loop3A_167 : i32 to index
        %parallel_loop3A_169 = arith.index_cast %parallel_loop3A_146 : i32 to index
        %parallel_loop3A_170 = tpu.vector_load %arg6[%parallel_loop3A_168, %parallel_loop3A_169] {strides = array<i32>} : memref<10x2048xf32, #tpu.memory_space<vmem>>, vector<16xf32>,
        %parallel_loop3A_171 = arith.constant 6 : i32
        %parallel_loop3A_172 = arith.index_cast %parallel_loop3A_171 : i32 to index
        %parallel_loop3A_173 = arith.index_cast %parallel_loop3A_146 : i32 to index
        %parallel_loop3A_174 = tpu.vector_load %arg6[%parallel_loop3A_172, %parallel_loop3A_173] {strides = array<i32>} : memref<10x2048xf32, #tpu.memory_space<vmem>>, vector<16xf32>,
        %parallel_loop3A_175 = arith.constant 7 : i32
        %parallel_loop3A_176 = arith.index_cast %parallel_loop3A_175 : i32 to index
        %parallel_loop3A_177 = arith.index_cast %parallel_loop3A_146 : i32 to index
        %parallel_loop3A_178 = tpu.vector_load %arg6[%parallel_loop3A_176, %parallel_loop3A_177] {strides = array<i32>} : memref<10x2048xf32, #tpu.memory_space<vmem>>, vector<16xf32>,
        %parallel_loop3A_179 = arith.constant 8 : i32
        %parallel_loop3A_180 = arith.index_cast %parallel_loop3A_179 : i32 to index
        %parallel_loop3A_181 = arith.index_cast %parallel_loop3A_146 : i32 to index
        %parallel_loop3A_182 = tpu.vector_load %arg6[%parallel_loop3A_180, %parallel_loop3A_181] {strides = array<i32>} : memref<10x2048xf32, #tpu.memory_space<vmem>>, vector<16xf32>,
        %parallel_loop3A_183 = arith.constant 9 : i32
        %parallel_loop3A_184 = arith.index_cast %parallel_loop3A_183 : i32 to index
        %parallel_loop3A_185 = arith.index_cast %parallel_loop3A_146 : i32 to index
        %parallel_loop3A_186 = tpu.vector_load %arg6[%parallel_loop3A_184, %parallel_loop3A_185] {strides = array<i32>} : memref<10x2048xf32, #tpu.memory_space<vmem>>, vector<16xf32>,
        %parallel_loop3A_187 = arith.constant 5.120000e+02 : f32
        %parallel_loop3A_188 = vector.broadcast %parallel_loop3A_187 : f32 to vector<16xf32>
        %parallel_loop3A_189 = arith.mulf %parallel_loop3A_150, %parallel_loop3A_188 : vector<16xf32>
        %parallel_loop3A_190 = arith.constant 2.560000e+02 : f32
        %parallel_loop3A_191 = vector.broadcast %parallel_loop3A_190 : f32 to vector<16xf32>
        %parallel_loop3A_192 = arith.mulf %parallel_loop3A_154, %parallel_loop3A_191 : vector<16xf32>
        %parallel_loop3A_193 = arith.addf %parallel_loop3A_189, %parallel_loop3A_192 : vector<16xf32>
        %parallel_loop3A_194 = arith.constant 1.280000e+02 : f32
        %parallel_loop3A_195 = vector.broadcast %parallel_loop3A_194 : f32 to vector<16xf32>
        %parallel_loop3A_196 = arith.mulf %parallel_loop3A_158, %parallel_loop3A_195 : vector<16xf32>
        %parallel_loop3A_197 = arith.constant 6.400000e+01 : f32
        %parallel_loop3A_198 = vector.broadcast %parallel_loop3A_197 : f32 to vector<16xf32>
        %parallel_loop3A_199 = arith.mulf %parallel_loop3A_162, %parallel_loop3A_198 : vector<16xf32>
        %parallel_loop3A_200 = arith.addf %parallel_loop3A_196, %parallel_loop3A_199 : vector<16xf32>
        %parallel_loop3A_201 = arith.constant 3.200000e+01 : f32
        %parallel_loop3A_202 = vector.broadcast %parallel_loop3A_201 : f32 to vector<16xf32>
        %parallel_loop3A_203 = arith.mulf %parallel_loop3A_166, %parallel_loop3A_202 : vector<16xf32>
        %parallel_loop3A_204 = arith.constant 1.600000e+01 : f32
        %parallel_loop3A_205 = vector.broadcast %parallel_loop3A_204 : f32 to vector<16xf32>
        %parallel_loop3A_206 = arith.mulf %parallel_loop3A_170, %parallel_loop3A_205 : vector<16xf32>
        %parallel_loop3A_207 = arith.addf %parallel_loop3A_203, %parallel_loop3A_206 : vector<16xf32>
        %parallel_loop3A_208 = arith.constant 8.000000e+00 : f32
        %parallel_loop3A_209 = vector.broadcast %parallel_loop3A_208 : f32 to vector<16xf32>
        %parallel_loop3A_210 = arith.mulf %parallel_loop3A_174, %parallel_loop3A_209 : vector<16xf32>
        %parallel_loop3A_211 = arith.constant 4.000000e+00 : f32
        %parallel_loop3A_212 = vector.broadcast %parallel_loop3A_211 : f32 to vector<16xf32>
        %parallel_loop3A_213 = arith.mulf %parallel_loop3A_178, %parallel_loop3A_212 : vector<16xf32>
        %parallel_loop3A_214 = arith.addf %parallel_loop3A_210, %parallel_loop3A_213 : vector<16xf32>
        %parallel_loop3A_215 = arith.constant 2.000000e+00 : f32
        %parallel_loop3A_216 = vector.broadcast %parallel_loop3A_215 : f32 to vector<16xf32>
        %parallel_loop3A_217 = arith.mulf %parallel_loop3A_182, %parallel_loop3A_216 : vector<16xf32>
        %parallel_loop3A_218 = arith.addf %parallel_loop3A_217, %parallel_loop3A_186 : vector<16xf32>
        %parallel_loop3A_219 = arith.addf %parallel_loop3A_193, %parallel_loop3A_200 : vector<16xf32>
        %parallel_loop3A_220 = arith.addf %parallel_loop3A_207, %parallel_loop3A_214 : vector<16xf32>
        %parallel_loop3A_221 = arith.addf %parallel_loop3A_219, %parallel_loop3A_220 : vector<16xf32>
        %parallel_loop3A_222 = arith.addf %parallel_loop3A_221, %parallel_loop3A_218 : vector<16xf32>
        %parallel_loop3A_223 = arith.fptosi %parallel_loop3A_222 : vector<16xf32> to vector<16xi32>
        %parallel_loop3A_224 = tpu.vector_load_idx %arg5[%broadcast_in_dim3A_3, %parallel_loop3A_223] : memref<2x1024xf32, #tpu.memory_space<vmem>>[vector<16xi32>, vector<16xi32>], vector<16xf32>,
        %parallel_loop3A_225 = arith.mulf %parallel_loop3A_224, %mul3A_59 : vector<16xf32>
        %parallel_loop3A_226 = tpu.vector_load_idx %arg5[%broadcast_in_dim3A_5, %parallel_loop3A_223] : memref<2x1024xf32, #tpu.memory_space<vmem>>[vector<16xi32>, vector<16xi32>], vector<16xf32>,
        %parallel_loop3A_227 = arith.mulf %parallel_loop3A_226, %mul3A_59 : vector<16xf32>
        %parallel_loop3A_228 = arith.constant 0 : i32
        %parallel_loop3A_229 = arith.index_cast %parallel_loop3A_228 : i32 to index
        %parallel_loop3A_230 = arith.index_cast %parallel_loop3A_146 : i32 to index
        %parallel_loop3A_231 = tpu.vector_load %arg8[%parallel_loop3A_229, %parallel_loop3A_230] {strides = array<i32>} : memref<2x2048xf32, #tpu.memory_space<vmem>>, vector<16xf32>,
        tpu.vector_store %arg8[%parallel_loop3A_229, %parallel_loop3A_230], %parallel_loop3A_225 {strides = array<i32>} : memref<2x2048xf32, #tpu.memory_space<vmem>>, vector<16xf32>,
        %parallel_loop3A_232 = arith.constant 1 : i32
        %parallel_loop3A_233 = arith.index_cast %parallel_loop3A_232 : i32 to index
        %parallel_loop3A_234 = arith.index_cast %parallel_loop3A_146 : i32 to index
        %parallel_loop3A_235 = tpu.vector_load %arg8[%parallel_loop3A_233, %parallel_loop3A_234] {strides = array<i32>} : memref<2x2048xf32, #tpu.memory_space<vmem>>, vector<16xf32>,
        tpu.vector_store %arg8[%parallel_loop3A_233, %parallel_loop3A_234], %parallel_loop3A_227 {strides = array<i32>} : memref<2x2048xf32, #tpu.memory_space<vmem>>, vector<16xf32>,
      } {sc.loop_unroll_factor = 32 : i64, sc.parallel_access}
      %mul3A_105 = arith.constant 2048 : i32
      %mul3A_106 = arith.muli %mul3A_84, %mul3A_105 : i32
      %add3A_107 = arith.addi %mul3A_2, %mul3A_106 : i32
      %dma_start3A_108 = arith.constant 0 : i32
      %dma_start3A_109 = tpu.memref_slice %arg4[%dma_start3A_108, %add3A_107] : memref<2x1048576xf32, #tpu.memory_space<hbm>> -> memref<2x2048xf32, #tpu.memory_space<hbm>>
      %dma_start3A_110 = arith.constant 0 : i32
      %dma_start3A_111 = tpu.memref_slice %arg4[%dma_start3A_110, %add3A_107] : memref<2x1048576xf32, #tpu.memory_space<hbm>> -> memref<2x2048xf32, #tpu.memory_space<hbm>>
      tpu.enqueue_dma source(%arg8 : memref<2x2048xf32, #tpu.memory_space<vmem>>) target(%dma_start3A_111 : memref<2x2048xf32, #tpu.memory_space<hbm>>) target_semaphore(%arg12 : memref<!tpu.dma_semaphore, #tpu.memory_space<semaphore_mem>>)
      %add3A_112 = arith.constant 1 : i32
      %add3A_113 = arith.addi %scan3A_82, %add3A_112 : i32
      %lt3A = arith.constant 8 : i32
      %lt3A_114 = arith.cmpi slt, %add3A_113, %lt3A : i32
      %convert_element_type3A_115 = arith.extui %lt3A_114 : i1 to i32
      %cond3A_116 = arith.constant 0 : i32
      %cond3A_117 = arith.cmpi ne, %convert_element_type3A_115, %cond3A_116 : i32
      scf.if %cond3A_117 {
        %add3A_144 = arith.constant 2 : i32
        %add3A_145 = arith.addi %mul3A_84, %add3A_144 : i32
        %mul3A_146 = arith.constant 2048 : i32
        %mul3A_147 = arith.muli %add3A_145, %mul3A_146 : i32
        %add3A_148 = arith.addi %mul3A_2, %mul3A_147 : i32
        %dma_start3A_149 = arith.constant 0 : i32
        %dma_start3A_150 = tpu.memref_slice %arg2[%dma_start3A_149, %add3A_148] : memref<10x1048576xf32, #tpu.memory_space<hbm>> -> memref<10x2048xf32, #tpu.memory_space<hbm>>
        %dma_start3A_151 = arith.constant 0 : i32
        %dma_start3A_152 = tpu.memref_slice %arg2[%dma_start3A_151, %add3A_148] : memref<10x1048576xf32, #tpu.memory_space<hbm>> -> memref<10x2048xf32, #tpu.memory_space<hbm>>
        tpu.enqueue_dma source(%dma_start3A_152 : memref<10x2048xf32, #tpu.memory_space<hbm>>) target(%arg6 : memref<10x2048xf32, #tpu.memory_space<vmem>>) target_semaphore(%arg10 : memref<!tpu.dma_semaphore, #tpu.memory_space<semaphore_mem>>)
      } else {
      }
      %add3A_118 = arith.constant 1 : i32
      %add3A_119 = arith.addi %mul3A_84, %add3A_118 : i32
      %mul3A_120 = arith.constant 2048 : i32
      %mul3A_121 = arith.muli %add3A_119, %mul3A_120 : i32
      %add3A_122 = arith.addi %mul3A_2, %mul3A_121 : i32
      %dma_wait3A_123 = arith.constant 0 : i32
      %dma_wait3A_124 = tpu.memref_slice %arg2[%dma_wait3A_123, %add3A_122] : memref<10x1048576xf32, #tpu.memory_space<hbm>> -> memref<10x2048xf32, #tpu.memory_space<hbm>>
      %dma_wait3A_125 = arith.constant 0 : i32
      %dma_wait3A_126 = tpu.memref_slice %arg2[%dma_wait3A_125, %add3A_122] : memref<10x1048576xf32, #tpu.memory_space<hbm>> -> memref<10x2048xf32, #tpu.memory_space<hbm>>
      tpu.wait_dma2 semaphore(%arg11 : memref<!tpu.dma_semaphore, #tpu.memory_space<semaphore_mem>>) src(%dma_wait3A_126 : memref<10x2048xf32, #tpu.memory_space<hbm>>) dst(%arg7 : memref<10x2048xf32, #tpu.memory_space<vmem>>)
      %gt3A_127 = arith.constant 0 : i32
      %gt3A_128 = arith.cmpi sgt, %scan3A_82, %gt3A_127 : i32
      %convert_element_type3A_129 = arith.extui %gt3A_128 : i1 to i32
      %cond3A_130 = arith.constant 0 : i32
      %cond3A_131 = arith.cmpi ne, %convert_element_type3A_129, %cond3A_130 : i32
      scf.if %cond3A_131 {
        %sub3A_144 = arith.constant 1 : i32
        %sub3A_145 = arith.subi %mul3A_84, %sub3A_144 : i32
        %mul3A_146 = arith.constant 2048 : i32
        %mul3A_147 = arith.muli %sub3A_145, %mul3A_146 : i32
        %add3A_148 = arith.addi %mul3A_2, %mul3A_147 : i32
        %dma_wait3A_149 = arith.constant 0 : i32
        %dma_wait3A_150 = tpu.memref_slice %arg4[%dma_wait3A_149, %add3A_148] : memref<2x1048576xf32, #tpu.memory_space<hbm>> -> memref<2x2048xf32, #tpu.memory_space<hbm>>
        %dma_wait3A_151 = arith.constant 0 : i32
        %dma_wait3A_152 = tpu.memref_slice %arg4[%dma_wait3A_151, %add3A_148] : memref<2x1048576xf32, #tpu.memory_space<hbm>> -> memref<2x2048xf32, #tpu.memory_space<hbm>>
        tpu.wait_dma2 semaphore(%arg13 : memref<!tpu.dma_semaphore, #tpu.memory_space<semaphore_mem>>) src(%arg9 : memref<2x2048xf32, #tpu.memory_space<vmem>>) dst(%dma_wait3A_152 : memref<2x2048xf32, #tpu.memory_space<hbm>>)
      } else {
      }
      %parallel_loop3A_132 = arith.constant 0 : i32
      %parallel_loop3A_133 = arith.constant 128 : i32
      %parallel_loop3A_134 = arith.constant 1 : i32
      scf.for %parallel_loop3A_144 = %parallel_loop3A_132 to %parallel_loop3A_133 step %parallel_loop3A_134  : i32 {
        %parallel_loop3A_145 = arith.constant 16 : i32
        %parallel_loop3A_146 = arith.muli %parallel_loop3A_144, %parallel_loop3A_145 : i32
        %parallel_loop3A_147 = arith.constant 0 : i32
        %parallel_loop3A_148 = arith.index_cast %parallel_loop3A_147 : i32 to index
        %parallel_loop3A_149 = arith.index_cast %parallel_loop3A_146 : i32 to index
        %parallel_loop3A_150 = tpu.vector_load %arg7[%parallel_loop3A_148, %parallel_loop3A_149] {strides = array<i32>} : memref<10x2048xf32, #tpu.memory_space<vmem>>, vector<16xf32>,
        %parallel_loop3A_151 = arith.constant 1 : i32
        %parallel_loop3A_152 = arith.index_cast %parallel_loop3A_151 : i32 to index
        %parallel_loop3A_153 = arith.index_cast %parallel_loop3A_146 : i32 to index
        %parallel_loop3A_154 = tpu.vector_load %arg7[%parallel_loop3A_152, %parallel_loop3A_153] {strides = array<i32>} : memref<10x2048xf32, #tpu.memory_space<vmem>>, vector<16xf32>,
        %parallel_loop3A_155 = arith.constant 2 : i32
        %parallel_loop3A_156 = arith.index_cast %parallel_loop3A_155 : i32 to index
        %parallel_loop3A_157 = arith.index_cast %parallel_loop3A_146 : i32 to index
        %parallel_loop3A_158 = tpu.vector_load %arg7[%parallel_loop3A_156, %parallel_loop3A_157] {strides = array<i32>} : memref<10x2048xf32, #tpu.memory_space<vmem>>, vector<16xf32>,
        %parallel_loop3A_159 = arith.constant 3 : i32
        %parallel_loop3A_160 = arith.index_cast %parallel_loop3A_159 : i32 to index
        %parallel_loop3A_161 = arith.index_cast %parallel_loop3A_146 : i32 to index
        %parallel_loop3A_162 = tpu.vector_load %arg7[%parallel_loop3A_160, %parallel_loop3A_161] {strides = array<i32>} : memref<10x2048xf32, #tpu.memory_space<vmem>>, vector<16xf32>,
        %parallel_loop3A_163 = arith.constant 4 : i32
        %parallel_loop3A_164 = arith.index_cast %parallel_loop3A_163 : i32 to index
        %parallel_loop3A_165 = arith.index_cast %parallel_loop3A_146 : i32 to index
        %parallel_loop3A_166 = tpu.vector_load %arg7[%parallel_loop3A_164, %parallel_loop3A_165] {strides = array<i32>} : memref<10x2048xf32, #tpu.memory_space<vmem>>, vector<16xf32>,
        %parallel_loop3A_167 = arith.constant 5 : i32
        %parallel_loop3A_168 = arith.index_cast %parallel_loop3A_167 : i32 to index
        %parallel_loop3A_169 = arith.index_cast %parallel_loop3A_146 : i32 to index
        %parallel_loop3A_170 = tpu.vector_load %arg7[%parallel_loop3A_168, %parallel_loop3A_169] {strides = array<i32>} : memref<10x2048xf32, #tpu.memory_space<vmem>>, vector<16xf32>,
        %parallel_loop3A_171 = arith.constant 6 : i32
        %parallel_loop3A_172 = arith.index_cast %parallel_loop3A_171 : i32 to index
        %parallel_loop3A_173 = arith.index_cast %parallel_loop3A_146 : i32 to index
        %parallel_loop3A_174 = tpu.vector_load %arg7[%parallel_loop3A_172, %parallel_loop3A_173] {strides = array<i32>} : memref<10x2048xf32, #tpu.memory_space<vmem>>, vector<16xf32>,
        %parallel_loop3A_175 = arith.constant 7 : i32
        %parallel_loop3A_176 = arith.index_cast %parallel_loop3A_175 : i32 to index
        %parallel_loop3A_177 = arith.index_cast %parallel_loop3A_146 : i32 to index
        %parallel_loop3A_178 = tpu.vector_load %arg7[%parallel_loop3A_176, %parallel_loop3A_177] {strides = array<i32>} : memref<10x2048xf32, #tpu.memory_space<vmem>>, vector<16xf32>,
        %parallel_loop3A_179 = arith.constant 8 : i32
        %parallel_loop3A_180 = arith.index_cast %parallel_loop3A_179 : i32 to index
        %parallel_loop3A_181 = arith.index_cast %parallel_loop3A_146 : i32 to index
        %parallel_loop3A_182 = tpu.vector_load %arg7[%parallel_loop3A_180, %parallel_loop3A_181] {strides = array<i32>} : memref<10x2048xf32, #tpu.memory_space<vmem>>, vector<16xf32>,
        %parallel_loop3A_183 = arith.constant 9 : i32
        %parallel_loop3A_184 = arith.index_cast %parallel_loop3A_183 : i32 to index
        %parallel_loop3A_185 = arith.index_cast %parallel_loop3A_146 : i32 to index
        %parallel_loop3A_186 = tpu.vector_load %arg7[%parallel_loop3A_184, %parallel_loop3A_185] {strides = array<i32>} : memref<10x2048xf32, #tpu.memory_space<vmem>>, vector<16xf32>,
        %parallel_loop3A_187 = arith.constant 5.120000e+02 : f32
        %parallel_loop3A_188 = vector.broadcast %parallel_loop3A_187 : f32 to vector<16xf32>
        %parallel_loop3A_189 = arith.mulf %parallel_loop3A_150, %parallel_loop3A_188 : vector<16xf32>
        %parallel_loop3A_190 = arith.constant 2.560000e+02 : f32
        %parallel_loop3A_191 = vector.broadcast %parallel_loop3A_190 : f32 to vector<16xf32>
        %parallel_loop3A_192 = arith.mulf %parallel_loop3A_154, %parallel_loop3A_191 : vector<16xf32>
        %parallel_loop3A_193 = arith.addf %parallel_loop3A_189, %parallel_loop3A_192 : vector<16xf32>
        %parallel_loop3A_194 = arith.constant 1.280000e+02 : f32
        %parallel_loop3A_195 = vector.broadcast %parallel_loop3A_194 : f32 to vector<16xf32>
        %parallel_loop3A_196 = arith.mulf %parallel_loop3A_158, %parallel_loop3A_195 : vector<16xf32>
        %parallel_loop3A_197 = arith.constant 6.400000e+01 : f32
        %parallel_loop3A_198 = vector.broadcast %parallel_loop3A_197 : f32 to vector<16xf32>
        %parallel_loop3A_199 = arith.mulf %parallel_loop3A_162, %parallel_loop3A_198 : vector<16xf32>
        %parallel_loop3A_200 = arith.addf %parallel_loop3A_196, %parallel_loop3A_199 : vector<16xf32>
        %parallel_loop3A_201 = arith.constant 3.200000e+01 : f32
        %parallel_loop3A_202 = vector.broadcast %parallel_loop3A_201 : f32 to vector<16xf32>
        %parallel_loop3A_203 = arith.mulf %parallel_loop3A_166, %parallel_loop3A_202 : vector<16xf32>
        %parallel_loop3A_204 = arith.constant 1.600000e+01 : f32
        %parallel_loop3A_205 = vector.broadcast %parallel_loop3A_204 : f32 to vector<16xf32>
        %parallel_loop3A_206 = arith.mulf %parallel_loop3A_170, %parallel_loop3A_205 : vector<16xf32>
        %parallel_loop3A_207 = arith.addf %parallel_loop3A_203, %parallel_loop3A_206 : vector<16xf32>
        %parallel_loop3A_208 = arith.constant 8.000000e+00 : f32
        %parallel_loop3A_209 = vector.broadcast %parallel_loop3A_208 : f32 to vector<16xf32>
        %parallel_loop3A_210 = arith.mulf %parallel_loop3A_174, %parallel_loop3A_209 : vector<16xf32>
        %parallel_loop3A_211 = arith.constant 4.000000e+00 : f32
        %parallel_loop3A_212 = vector.broadcast %parallel_loop3A_211 : f32 to vector<16xf32>
        %parallel_loop3A_213 = arith.mulf %parallel_loop3A_178, %parallel_loop3A_212 : vector<16xf32>
        %parallel_loop3A_214 = arith.addf %parallel_loop3A_210, %parallel_loop3A_213 : vector<16xf32>
        %parallel_loop3A_215 = arith.constant 2.000000e+00 : f32
        %parallel_loop3A_216 = vector.broadcast %parallel_loop3A_215 : f32 to vector<16xf32>
        %parallel_loop3A_217 = arith.mulf %parallel_loop3A_182, %parallel_loop3A_216 : vector<16xf32>
        %parallel_loop3A_218 = arith.addf %parallel_loop3A_217, %parallel_loop3A_186 : vector<16xf32>
        %parallel_loop3A_219 = arith.addf %parallel_loop3A_193, %parallel_loop3A_200 : vector<16xf32>
        %parallel_loop3A_220 = arith.addf %parallel_loop3A_207, %parallel_loop3A_214 : vector<16xf32>
        %parallel_loop3A_221 = arith.addf %parallel_loop3A_219, %parallel_loop3A_220 : vector<16xf32>
        %parallel_loop3A_222 = arith.addf %parallel_loop3A_221, %parallel_loop3A_218 : vector<16xf32>
        %parallel_loop3A_223 = arith.fptosi %parallel_loop3A_222 : vector<16xf32> to vector<16xi32>
        %parallel_loop3A_224 = tpu.vector_load_idx %arg5[%broadcast_in_dim3A_3, %parallel_loop3A_223] : memref<2x1024xf32, #tpu.memory_space<vmem>>[vector<16xi32>, vector<16xi32>], vector<16xf32>,
        %parallel_loop3A_225 = arith.mulf %parallel_loop3A_224, %mul3A_59 : vector<16xf32>
        %parallel_loop3A_226 = tpu.vector_load_idx %arg5[%broadcast_in_dim3A_5, %parallel_loop3A_223] : memref<2x1024xf32, #tpu.memory_space<vmem>>[vector<16xi32>, vector<16xi32>], vector<16xf32>,
        %parallel_loop3A_227 = arith.mulf %parallel_loop3A_226, %mul3A_59 : vector<16xf32>
        %parallel_loop3A_228 = arith.constant 0 : i32
        %parallel_loop3A_229 = arith.index_cast %parallel_loop3A_228 : i32 to index
        %parallel_loop3A_230 = arith.index_cast %parallel_loop3A_146 : i32 to index
        %parallel_loop3A_231 = tpu.vector_load %arg9[%parallel_loop3A_229, %parallel_loop3A_230] {strides = array<i32>} : memref<2x2048xf32, #tpu.memory_space<vmem>>, vector<16xf32>,
        tpu.vector_store %arg9[%parallel_loop3A_229, %parallel_loop3A_230], %parallel_loop3A_225 {strides = array<i32>} : memref<2x2048xf32, #tpu.memory_space<vmem>>, vector<16xf32>,
        %parallel_loop3A_232 = arith.constant 1 : i32
        %parallel_loop3A_233 = arith.index_cast %parallel_loop3A_232 : i32 to index
        %parallel_loop3A_234 = arith.index_cast %parallel_loop3A_146 : i32 to index
        %parallel_loop3A_235 = tpu.vector_load %arg9[%parallel_loop3A_233, %parallel_loop3A_234] {strides = array<i32>} : memref<2x2048xf32, #tpu.memory_space<vmem>>, vector<16xf32>,
        tpu.vector_store %arg9[%parallel_loop3A_233, %parallel_loop3A_234], %parallel_loop3A_227 {strides = array<i32>} : memref<2x2048xf32, #tpu.memory_space<vmem>>, vector<16xf32>,
      } {sc.loop_unroll_factor = 32 : i64, sc.parallel_access}
      %add3A_135 = arith.constant 1 : i32
      %add3A_136 = arith.addi %mul3A_84, %add3A_135 : i32
      %mul3A_137 = arith.constant 2048 : i32
      %mul3A_138 = arith.muli %add3A_136, %mul3A_137 : i32
      %add3A_139 = arith.addi %mul3A_2, %mul3A_138 : i32
      %dma_start3A_140 = arith.constant 0 : i32
      %dma_start3A_141 = tpu.memref_slice %arg4[%dma_start3A_140, %add3A_139] : memref<2x1048576xf32, #tpu.memory_space<hbm>> -> memref<2x2048xf32, #tpu.memory_space<hbm>>
      %dma_start3A_142 = arith.constant 0 : i32
      %dma_start3A_143 = tpu.memref_slice %arg4[%dma_start3A_142, %add3A_139] : memref<2x1048576xf32, #tpu.memory_space<hbm>> -> memref<2x2048xf32, #tpu.memory_space<hbm>>
      tpu.enqueue_dma source(%arg9 : memref<2x2048xf32, #tpu.memory_space<vmem>>) target(%dma_start3A_143 : memref<2x2048xf32, #tpu.memory_space<hbm>>) target_semaphore(%arg13 : memref<!tpu.dma_semaphore, #tpu.memory_space<semaphore_mem>>)
    }
    %scan3A_70 = arith.constant 8 : i32
    %add3A_71 = arith.constant 28672 : i32
    %add3A_72 = arith.addi %mul3A_2, %add3A_71 : i32
    %dma_wait3A = arith.constant 0 : i32
    %dma_wait3A_73 = tpu.memref_slice %arg4[%dma_wait3A, %add3A_72] : memref<2x1048576xf32, #tpu.memory_space<hbm>> -> memref<2x2048xf32, #tpu.memory_space<hbm>>
    %dma_wait3A_74 = arith.constant 0 : i32
    %dma_wait3A_75 = tpu.memref_slice %arg4[%dma_wait3A_74, %add3A_72] : memref<2x1048576xf32, #tpu.memory_space<hbm>> -> memref<2x2048xf32, #tpu.memory_space<hbm>>
    tpu.wait_dma2 semaphore(%arg12 : memref<!tpu.dma_semaphore, #tpu.memory_space<semaphore_mem>>) src(%arg8 : memref<2x2048xf32, #tpu.memory_space<vmem>>) dst(%dma_wait3A_75 : memref<2x2048xf32, #tpu.memory_space<hbm>>)
    %add3A_76 = arith.constant 30720 : i32
    %add3A_77 = arith.addi %mul3A_2, %add3A_76 : i32
    %dma_wait3A_78 = arith.constant 0 : i32
    %dma_wait3A_79 = tpu.memref_slice %arg4[%dma_wait3A_78, %add3A_77] : memref<2x1048576xf32, #tpu.memory_space<hbm>> -> memref<2x2048xf32, #tpu.memory_space<hbm>>
    %dma_wait3A_80 = arith.constant 0 : i32
    %dma_wait3A_81 = tpu.memref_slice %arg4[%dma_wait3A_80, %add3A_77] : memref<2x1048576xf32, #tpu.memory_space<hbm>> -> memref<2x2048xf32, #tpu.memory_space<hbm>>
    tpu.wait_dma2 semaphore(%arg13 : memref<!tpu.dma_semaphore, #tpu.memory_space<semaphore_mem>>) src(%arg9 : memref<2x2048xf32, #tpu.memory_space<vmem>>) dst(%dma_wait3A_81 : memref<2x2048xf32, #tpu.memory_space<hbm>>)
    return
  }
}

</mosaic_0001>

<sc_bundles>
// kernel: kernel.3.cloned.1.call-start
scs
__scs_entry_jumppad:
0x0: {  	(pc) =	sbr.rel $0x88, $3  }
0x1: {  	(tag) =	ssettag $0x0;
	lr =	simm.s32 $0x1  }
0x2: {  	[smem:$0x3F9F] =	sst lr;
	_ =	strace $0xD0000000  }
0x3: {  	_ = 	snop  }
0x4: {  	_ = 	snop  }
0x5: {  	_ = 	snop  }
0x6: {  	_ = 	snop  }
0x7: {  	_ = 	snop  }
__scs_overlays_trampoline_lowered:
0x8: {  	[smem:$0x3FAE] =	sst s0  }
0x9: {  	[smem:$0x3FAF] =	sst s1  }
0xa: {  	[smem:$0x3FB0] =	sst s2  }
0xb: {  	[smem:$0x3FB1] =	sst s3  }
0xc: {  	[smem:$0x3FB2] =	sst s4  }
0xd: {  	[smem:$0x3FB3] =	sst s5  }
0xe: {  	[smem:$0x3FB4] =	sst s6  }
0xf: {  	[smem:$0x3FB5] =	sst s7  }
0x10: {  	[smem:$0x3FB6] =	sst s8  }
0x11: {  	[smem:$0x3FB7] =	sst s9;
	s0 =	simm.s32 @!p0 $0x0  }
0x12: {  	s1 =	sld [smem:$0x3F9D];
	s0 =	simm.s32 @p0 $0x1  }
0x13: {  	[smem:$0x3FB8] =	sst s0;
	s0 =	simm.s32 @!p1 $0x0  }
0x14: {  	s2 =	sld [smem:$0x3F9C];
	s0 =	simm.s32 @p1 $0x1  }
0x15: {  	[smem:$0x3FB9] =	sst s0;
	s0 =	simm.s32 @!p2 $0x0  }
0x16: {  	s3 =	sld [smem:$0x3FDB];
	s0 =	simm.s32 @p2 $0x1  }
0x17: {  	s4 =	simm.s32 $0x1BF5;
	[smem:$0x3FBB] =	sst s0  }
0x18: {  	s0 =	sld [smem:$0x3F9E];
	_ =	swait.ge [sflag:s4], $0x0  }
0x19: {  	s7 =	sld [smem:$0x3F9F]  }
0x1a: {  	s8 =	sadd.s32 $0xFFFFE003, lr  }
0x1b: {  	s9 =	sadd.s32 $0xFFFFFEF7, lr;
	s5 =	simm.s32 $0xFFFFFFFF;
	p2 =	slt.u32 s8, $0xFFFFF086  }
0x1c: {  	p1 =	slt.u32 s9, $0xF7A;
	s5 =	simm.s32 @!p2 $0x0  }
0x1d: {  	s5 =	simm.s32 @p1 $0x1;
	p0 =	seq.s32 s7, s2  }
0x1e: {  	s7 =	smul.u32 @!p0 $0xF7A, s2;
	p2 =	seq.s32 @!p0 s5, $0x0  }
0x1f: {  	s9 =	smul.u32 $0xF7A, s1;
	s8 =	simm.s32 @!p0 $0x1BF5;
	p2 =	por !p2, p0  }
0x20: {  	[sflag:s8] =	ssyncset.s32 @!p0 $0xFFFFF086;
	s6 =	sadd.s32 @!p0 s3, s7;
	s7 =	simm.s32 @!p0 $0x108  }
0x21: {  	s3 =	sadd.s32 s3, s9;
	s6 =	sadd.s32 @!p0 $0x88, s6;
	s7 =	simm.s32 @p2 $0x1082  }
0x22: {  	[simem:s7], [sflag:s8] =	dma.local @!p0 [hbm:s6], $0xF7A  }
0x23: {  	s9 =	sor.u32 $0xD0000000, s2;
	s6 =	simm.s32 $0x108;
	_ =	swait.ge @!p0 [sflag:s8], $0x0  }
0x24: {  	s3 =	sadd.s32 $0x88, s3;
	s6 =	simm.s32 @!p1 $0x1082;
	[sflag:s4] =	ssyncset.s32 $0xFFFFF086  }
0x25: {  	[simem:s6], [sflag:s4] =	dma.local [hbm:s3], $0xF7A  }
0x26: {  	[smem:$0x3F9F] =	sst s1;
	(tag) =	ssettag s2;
	_ =	strace s9  }
0x27: {  	s1 =	sld [smem:$0x3FAF]  }
0x28: {  	s2 =	sld [smem:$0x3FB0]  }
0x29: {  	s4 =	sld [smem:$0x3FB2]  }
0x2a: {  	p0 =	seq.s32 s5, $0x0;
	s5 =	sld [smem:$0x3FB3]  }
0x2b: {  	s6 =	sld [smem:$0x3FB4]  }
0x2c: {  	s7 =	sld [smem:$0x3FB5]  }
0x2d: {  	s3 =	simm.s32 $0x108;
	s8 =	sld [smem:$0x3FB6]  }
0x2e: {  	s3 =	simm.s32 @!p0 $0x1082;
	s9 =	sld [smem:$0x3FB7]  }
0x2f: {  	lr =	sadd.s32 s0, s3;
	s0 =	sld [smem:$0x3FAE]  }
0x30: {  	s3 =	sld [smem:$0x3FB1]  }
0x31: {  	[smem:$0x3FBA] =	sst s10  }
0x32: {  	s10 =	sld [smem:$0x3FB8];
	_ =	sdelay $0x3  }
0x33: {  	p0 =	seq.s32 s10, $0x1;
	s10 =	sld [smem:$0x3FBA];
	_ =	sdelay $0x3  }
0x34: {  	[smem:$0x3FBA] =	sst s10  }
0x35: {  	s10 =	sld [smem:$0x3FB9];
	_ =	sdelay $0x3  }
0x36: {  	p1 =	seq.s32 s10, $0x1;
	s10 =	sld [smem:$0x3FBA];
	_ =	sdelay $0x3  }
0x37: {  	[smem:$0x3FBA] =	sst s10  }
0x38: {  	s10 =	sld [smem:$0x3FBB]  }
0x39: {  	_ = 	snop;
	(pc) =	sbr.ind lr, $3  }
0x3a: {  	_ = 	snop  }
0x3b: {  	_ = 	snop  }
0x3c: {  	p2 =	seq.s32 s10, $0x1;
	s10 =	sld [smem:$0x3FBA]  }
0x3d: {  	_ =	shalt  }
0x3e: {  	_ =	shalt  }
0x3f: {  	_ =	shalt  }
0x40: {  	_ =	shalt  }
0x41: {  	_ =	shalt  }
0x42: {  	_ =	shalt  }
0x43: {  	_ =	shalt  }
0x44: {  	_ =	shalt  }
0x45: {  	_ =	shalt  }
0x46: {  	_ =	shalt  }
0x47: {  	_ =	shalt  }
0x48: {  	_ =	shalt  }
0x49: {  	_ =	shalt  }
0x4a: {  	_ =	shalt  }
0x4b: {  	_ =	shalt  }
0x4c: {  	_ =	shalt  }
0x4d: {  	_ =	shalt  }
0x4e: {  	_ =	shalt  }
0x4f: {  	_ =	shalt  }
0x50: {  	_ =	shalt  }
0x51: {  	_ =	shalt  }
0x52: {  	_ =	shalt  }
0x53: {  	_ =	shalt  }
0x54: {  	_ =	shalt  }
0x55: {  	_ =	shalt  }
0x56: {  	_ =	shalt  }
0x57: {  	_ =	shalt  }
0x58: {  	_ =	shalt  }
0x59: {  	_ =	shalt  }
0x5a: {  	_ =	shalt  }
0x5b: {  	_ =	shalt  }
0x5c: {  	_ =	shalt  }
0x5d: {  	_ =	shalt  }
0x5e: {  	_ =	shalt  }
0x5f: {  	_ =	shalt  }
0x60: {  	_ =	shalt  }
0x61: {  	_ =	shalt  }
0x62: {  	_ =	shalt  }
0x63: {  	_ =	shalt  }
0x64: {  	_ =	shalt  }
0x65: {  	_ =	shalt  }
0x66: {  	_ =	shalt  }
0x67: {  	_ =	shalt  }
0x68: {  	_ =	shalt  }
0x69: {  	_ =	shalt  }
0x6a: {  	_ =	shalt  }
0x6b: {  	_ =	shalt  }
0x6c: {  	_ =	shalt  }
0x6d: {  	_ =	shalt  }
0x6e: {  	_ =	shalt  }
0x6f: {  	_ =	shalt  }
0x70: {  	_ =	shalt  }
0x71: {  	_ =	shalt  }
0x72: {  	_ =	shalt  }
0x73: {  	_ =	shalt  }
0x74: {  	_ =	shalt  }
0x75: {  	_ =	shalt  }
0x76: {  	_ =	shalt  }
0x77: {  	_ =	shalt  }
0x78: {  	_ =	shalt  }
0x79: {  	_ =	shalt  }
0x7a: {  	_ =	shalt  }
0x7b: {  	_ =	shalt  }
0x7c: {  	_ =	shalt  }
0x7d: {  	_ =	shalt  }
0x7e: {  	_ =	shalt  }
0x7f: {  	_ =	shalt  }
0x80: {  	_ =	shalt  }
0x81: {  	_ =	shalt  }
0x82: {  	_ =	shalt  }
0x83: {  	_ =	shalt  }
0x84: {  	_ =	shalt  }
0x85: {  	_ =	shalt  }
0x86: {  	_ =	shalt  }
0x87: {  	_ =	shalt  }
.Lfunc_end0:
.L_simem_size_0:
called_computation_lowered:
.L_overlay_start_0:
0x88: {  	s2 =	sld [smem:$0x3FD9]  }
0x89: {  	s3 =	sld [smem:$0x3FFE];
	_ =	sdelay $0x1  }
0x8a: {  	s1 =	srdreg.scid  }
0x8b: {  	s0 =	sand.u32 $0x1, s1  }
0x8c: {  	s18 =	sshll.u32 s0, $0xA;
	s2 =	sadd.s32 s3, s2  }
0x8d: {  	s2 =	sadd.s32 s2, s18  }
0x8e: {  	[smem:$0x3FC6] =	sst s2  }
0x8f: {  	_ = 	snop  }
0x90: {  	s2 =	sld [smem:$0x3FC9]  }
0x91: {  	s19 =	sld [smem:$0x3FC8]  }
0x92: {  	s4 =	sld [smem:$0x3FD0];
	(tm) =	ssettm $0x1  }
0x93: {  	s5 =	sld [smem:$0x3FFB];
	_ =	sdelay $0x3  }
0x94: {  	_ =	strace s5  }
0x95: {  	s5 =	sld [smem:$0x3FFC];
	_ =	sdelay $0x3  }
0x96: {  	_ =	strace s5  }
0x97: {  	s5 =	sld [smem:$0x3FFD];
	_ =	sdelay $0x3  }
0x98: {  	_ =	strace s5  }
0x99: {  	_ =	strace $0x8FFFFFFF  }
0x9a: {  	s20 =	sld [smem:$0x3FDB];
	_ =	sdelay $0x1  }
0x9b: {  	s6 =	simm.s32 $_scs_section_size  }
0x9c: {  	s7 =	simm.s32 $_size__tile_overlayer_lowered;
	s8 =	simm.s32 $_tile_overlayer_lowered  }
0x9d: {  	s23 =	simm.s32 $0x1BFF;
	s22 =	sshll.u32 s8, $0x1;
	s5 =	sadd.s32 s6, s20  }
0x9e: {  	s9 =	simm.s32 $0x0;
	s21 =	sshll.u32 s7, $0x1;
	s7 =	sadd.s32 s22, s5  }
0x9f: {  	[timem:s9], [sflag:s23] =	dma.local [hbm:s7], s21  }
0xa0: {  	_ =	swait.ge [sflag:s23], s21  }
0xa1: {  	s6 =	ssub.s32 $0x0, s21;
	[sflag:s23] =	ssyncset.done $0x0  }
0xa2: {  	[sflag:s23] =	ssyncadd.s32 s6;
	_ =	sdelay $0x1  }
0xa3: {  	s24 =	simm.s32 $0x1B8B  }
0xa4: {  	_ =	swait.ge [sflag:s24], $0x1  }
0xa5: {  	[sflag:s24] =	ssyncset.done $0x0  }
0xa6: {  	s25 =	simm.s32 $0x1B8E;
	[sflag:s24] =	ssyncadd.s32 $0xFFFFFFFF  }
0xa7: {  	s26 =	simm.s32 $execute0_lowered;
	[smem:$0x3FD2] =	sst s25  }
0xa8: {  	s6 =	sshll.u32 s26, $0x1;
	_ =	strace $0x80000046;
	[dreg:$0x1] =	wrdreg $0xFFFFFFFF  }
0xa9: {  	s28 =	simm.s32 $_size_execute0_lowered;
	s5 =	sadd.s32 s5, s6;
	[dreg:$0x0] =	wrdreg $0x0  }
0xaa: {  	s6 =	sshll.u32 s28, $0x1;
	[dreg:$0x2] =	wrdreg s5  }
0xab: {  	[dreg:$0x3] =	wrdreg s6  }
0xac: {  	[dreg:$0x4] =	wrdreg $0xC0  }
0xad: {  	_ =	task [dreg:s9], $0x5FFFF  }
0xae: {  	[dreg:$0x1] =	wrdreg $0xFFFFFFFF  }
0xaf: {  	[dreg:$0x0] =	wrdreg $0x60  }
0xb0: {  	[dreg:$0x2] =	wrdreg s2  }
0xb1: {  	[dreg:$0x3] =	wrdreg s19  }
0xb2: {  	[dreg:$0x4] =	wrdreg s4  }
0xb3: {  	[dreg:$0x5] =	wrdreg $0x9  }
0xb4: {  	_ =	task.clear_ibuf [dreg:s9], $0x6FFFF;
	_ =	strace $0x90000046  }
0xb5: {  	s29 =	simm.s32 $0x9;
	_ =	strace $0x80000048  }
0xb6: {  	_ =	swait.ge [sflag:s29], $0x1  }
0xb7: {  	[sflag:s29] =	ssyncadd.s32 $0xFFFFFFFF  }
0xb8: {  	_ =	strace $0x90000048  }
0xb9: {  	_ =	sfence  }
0xba: {  	s30 =	sld [smem:$0x0];
	_ =	sdelay $0x2  }
0xbb: {  	s31 =	sshll.u32 s1, $0xD;
	s1 =	sshrl.u32 s1, $0x2  }
0xbc: {  	s3 =	sand.u32 $0x4000, s31;
	s1 =	sadd.s32 s1, s30  }
0xbd: {  	s0 =	sor.u32 s3, s0;
	s1 =	sshll.u32 s1, $0x11  }
0xbe: {  	s0 =	sor.u32 s1, s0  }
0xbf: {  	s0 =	sadd.s32 $0x8F2B, s0  }
0xc0: {  	[sflag:s0] =	ssyncadd.remote.s32 $0x1  }
0xc1: {  	_ =	sfence.sel $0xFFFF  }
0xc2: {  	[dreg:$0x0] =	wrdreg $0xFFFFFFFF;
	(pc) =	sbr.abs _section_cstart, $3  }
0xc3: {  	[dreg:$0x1] =	wrdreg $0xFFFFFFFF  }
0xc4: {  	_ =	task.clear_ibuf [dreg:s9], $0x2FFFF;
	_ =	strace $0x9FFFFFFF  }
0xc5: {  	(tm) =	ssettm $0x7FFFFFFF  }
tec
execute0_lowered:
.L_overlay_start_1:
0x0: {  	(tag) =	ssettag $0x1  }
0x1: {  	s1 =	rddreg [dreg:$0x0]  }
0x2: {  	s2 =	rddreg [dreg:$0x1]  }
0x3: {  	s3 =	rddreg [dreg:$0x2];
	s5 =	simm.s32 $0x0;
	s0 =	srdreg.scid  }
0x4: {  	s4 =	stileid.u32;
	s11 =	simm.s32 $0x5;
	s12 =	simm.s32 $0x4000  }
0x5: {  	s13 =	simm.s32 $0x800000;
	s14 =	simm.s32 $0x800;
	s15 =	simm.s32 $0x8800  }
0x6: {  	s16 =	simm.s32 $0x1;
	s17 =	simm.s32 $0x10800;
	s18 =	simm.s32 $0x2  }
0x7: {  	s19 =	simm.s32 $0x4;
	s20 =	simm.s32 $0x11800;
	s21 =	simm.s32 $0x3  }
0x8: {  	s22 =	simm.s32 $0x0;
	[smem:$0x7FF] =	sst s5;
	s0 =	sand.u32 $0x1, s0  }
0x9: {  	s7 =	sshll.u32 s4, $0x10;
	s6 =	ssub.s32 $0x2, s0;
	s0 =	sshll.u32 s0, $0xF  }
0xa: {  	_ =	strace $0x80000047;
	s8 =	sshrl.u32 s6, $0x1;
	s0 =	sor.u32 s0, s7  }
0xb: {  	s9 =	ssub.s32 s6, s8;
	s6 =	sadd.s32 s1, s0;
	s7 =	sshll.u32 s0, $0x1  }
0xc: {  	s10 =	sor.u32 $0x800, s0;
	s8 =	sadd.s32 $0x1000, s6;
	s9 =	smax.u32 s9, $0x1  }
.LBB2_1:
0xd: {  	[tilespmem:s5], [sflag:$0x5] =	stream.linear.gather [hbm4b:s2+s5], $0x800, $0x38;
	[tilespmem:$0x12800] =	vst v63  }
0xe: {  	_ =	swait.ge [sflag:s11], $0x800  }
0xf: {  	s0 =	sand.u32 $0x70, s5;
	s23 =	sand.u32 $0x700, s5;
	[sflag:s11] =	ssyncset.done $0x0  }
0x10: {  	s0 =	sor.u32 s0, s23;
	[sflag:s11] =	ssyncadd.s32 $0xFFFFF800  }
0x11: {  	v0 =	vld [tilespmem:s0+$0x0];
	_ =	sdelay $0x1  }
0x12: {  	v1 =	vld [tilespmem:s0+$0x80]  }
0x13: {  	s31 =	simm.s32 $0x10;
	s0 =	simm.s32 $0x20  }
0x14: {  	s23 =	sand.u32 $0x70, s31;
	s24 =	sand.u32 $0x700, s0  }
0x15: {  	s24 =	sor.u32 s23, s24;
	v2 =	vmul.f32 v0, v0  }
0x16: {  	v3 =	vimm.f32 $0.0e+00;
	v0 =	vld [tilespmem:s24+$0x0]  }
0x17: {  	v2 =	vadd.f32 v2, v3;
	v3 =	vmul.f32 v1, v1  }
0x18: {  	s23 =	simm.s32 $0x20;
	v1 =	vld [tilespmem:s24+$0x80]  }
.LBB2_2:
0x19: {  	s24 =	sand.u32 $0x70, s23;
	s0 =	sadd.s32 $0x20, s0;
	v2 =	vadd.f32 v3, v2;
	p0 =	sne.s32 s23, $0x3F0  }
.Ltmp0:
0x1a: {  	s23 =	sadd.s32 $0x10, s23;
	s25 =	sand.u32 $0x700, s0;
	(pc) =	sbr.rel @p0 .LBB2_2-.Ltmp0, $4  }
0x1b: {  	s24 =	sor.u32 s24, s25;
	v3 =	vmul.f32 v0, v0  }
0x1c: {  	v0 =	vld [tilespmem:s24+$0x0]  }
0x1d: {  	v2 =	vadd.f32 v3, v2;
	v3 =	vmul.f32 v1, v1  }
0x1e: {  	v1 =	vld [tilespmem:s24+$0x80]  }
0x1f: {  	_ =	sdelay $0x1  }
0x20: {  	v2 =	vadd.f32 v3, v2;
	v0 =	vmul.f32 v0, v0;
	_ =	sdelay $0x1  }
0x21: {  	v0 =	vadd.f32 v0, v2;
	v1 =	vmul.f32 v1, v1;
	_ =	sdelay $0x1  }
0x22: {  	v0 =	vadd.f32 v1, v0;
	_ =	sdelay $0x1  }
0x23: {  	(xrf2) =	vadd.scan.msk.f32 $0xffff, v0;
	_ =	sdelay $0x9  }
0x24: {  	v0, _, _ =	vpop (xrf2)  }
0x25: {  	(v2sf) =	vpush v0, $0xF;
	_ =	sdelay $0xe  }
0x26: {  	s0 =	spop (v2sf)  }
0x27: {  	s0 =	smul.f32 $9.765625000e-04, s0;
	_ =	sdelay $0x1  }
0x28: {  	v61 =	vmov s0  }
0x29: {  	v62 =	vshra.s32 v61, $0x1;
	v0 =	vmul.f32 $5.000000000e-01, v61  }
0x2a: {  	v1 =	vsub.s32 $0x5F3759DF, v62  }
0x2b: {  	v63 =	vmul.f32 v1, v0;
	_ =	sdelay $0x1  }
0x2c: {  	v2 =	vmul.f32 v1, v63;
	_ =	sdelay $0x1  }
0x2d: {  	v2 =	vsub.f32 $1.500000000e+00, v2;
	_ =	sdelay $0x1  }
0x2e: {  	v1 =	vmul.f32 v1, v2;
	_ =	sdelay $0x1  }
0x2f: {  	v2 =	vmul.f32 v1, v0;
	_ =	sdelay $0x1  }
0x30: {  	v2 =	vmul.f32 v2, v1;
	_ =	sdelay $0x1  }
0x31: {  	v2 =	vsub.f32 $1.500000000e+00, v2;
	_ =	sdelay $0x1  }
0x32: {  	v1 =	vmul.f32 v2, v1;
	_ =	sdelay $0x1  }
0x33: {  	v2 =	vmul.f32 v1, v0;
	_ =	sdelay $0x1  }
0x34: {  	v2 =	vmul.f32 v2, v1;
	_ =	sdelay $0x1  }
0x35: {  	v2 =	vsub.f32 $1.500000000e+00, v2;
	_ =	sdelay $0x1  }
0x36: {  	v1 =	vmul.f32 v2, v1;
	_ =	sdelay $0x1  }
0x37: {  	v0 =	vmul.f32 v1, v0;
	_ =	sdelay $0x1  }
0x38: {  	v0 =	vmul.f32 v0, v1;
	_ =	sdelay $0x1  }
0x39: {  	v0 =	vsub.f32 $1.500000000e+00, v0  }
0x3a: {  	[tilespmem:s14], [sflag:$0x1] =	stream.strided.gather [hbm4b:s6+s12], $0x8000, s13, s12, $0x38;
	[tilespmem:$0x12800] =	vst v63  }
0x3b: {  	s23 =	simm.s32 $0x0;
	v62 =	vmul.f32 v0, v1  }
.LBB2_4:
0x3c: {  	s25 =	sshll.u32 s23, $0xC  }
0x3d: {  	s24 =	sor.u32 s10, s25  }
0x3e: {  	s0 =	sadd.s32 s1, s24  }
0x3f: {  	[tilespmem:s15], [sflag:$0x2] =	stream.strided.gather [hbm4b:s0+s12], $0x8000, s13, s12, $0x38;
	[tilespmem:$0x12800] =	vst v63  }
0x40: {  	_ =	swait.ge [sflag:s16], $0x8000  }
0x41: {  	p0 =	seq.s32 s23, $0x0;
	[sflag:s16] =	ssyncset.done $0x0  }
0x42: {  	s0 =	simm.s32 @!p0 $0x3;
	[sflag:s16] =	ssyncadd.s32 $0xFFFF8000  }
0x43: {  	_ =	swait.ge @!p0 [sflag:s0], $0x1000  }
0x44: {  	[sflag:s0] =	ssyncset.done @!p0 $0x0  }
0x45: {  	s26 =	simm.s32 $0x0;
	[sflag:s0] =	ssyncadd.s32 @!p0 $0xFFFFF000  }
.LBB2_5:
0x46: {  	s0 =	sshll.u32 s26, $0x7  }
0x47: {  	s29 =	sand.u32 $0x3FFFFF80, s0  }
0x48: {  	v1 =	vld [tilespmem:s29+$0x800]  }
0x49: {  	v2 =	vld [tilespmem:s29+$0x880]  }
0x4a: {  	v3 =	vld [tilespmem:s29+$0x900]  }
0x4b: {  	v4 =	vld [tilespmem:s29+$0x980]  }
0x4c: {  	v5 =	vld [tilespmem:s29+$0xA00]  }
0x4d: {  	v6 =	vld [tilespmem:s29+$0xA80]  }
0x4e: {  	v7 =	vld [tilespmem:s29+$0xB00]  }
0x4f: {  	v8 =	vld [tilespmem:s29+$0xB80]  }
0x50: {  	v9 =	vld [tilespmem:s29+$0x4800]  }
0x51: {  	v10 =	vld [tilespmem:s29+$0x4880]  }
0x52: {  	v11 =	vld [tilespmem:s29+$0x810]  }
0x53: {  	v12 =	vld [tilespmem:s29+$0x890]  }
0x54: {  	v13 =	vld [tilespmem:s29+$0x910]  }
0x55: {  	v14 =	vld [tilespmem:s29+$0x990]  }
0x56: {  	v15 =	vld [tilespmem:s29+$0xA10]  }
0x57: {  	v16 =	vld [tilespmem:s29+$0xA90]  }
0x58: {  	v17 =	vld [tilespmem:s29+$0xB10]  }
0x59: {  	v18 =	vld [tilespmem:s29+$0xB90]  }
0x5a: {  	v19 =	vld [tilespmem:s29+$0x4810]  }
0x5b: {  	v20 =	vld [tilespmem:s29+$0x4890]  }
0x5c: {  	v21 =	vld [tilespmem:s29+$0x820]  }
0x5d: {  	v22 =	vld [tilespmem:s29+$0x8A0]  }
0x5e: {  	v23 =	vld [tilespmem:s29+$0x920]  }
0x5f: {  	v24 =	vld [tilespmem:s29+$0x9A0]  }
0x60: {  	v25 =	vld [tilespmem:s29+$0xA20]  }
0x61: {  	v26 =	vld [tilespmem:s29+$0xAA0]  }
0x62: {  	v27 =	vld [tilespmem:s29+$0xB20]  }
0x63: {  	v28 =	vld [tilespmem:s29+$0xBA0]  }
0x64: {  	v29 =	vld [tilespmem:s29+$0x4820]  }
0x65: {  	v30 =	vld [tilespmem:s29+$0x48A0]  }
0x66: {  	v31 =	vld [tilespmem:s29+$0x830]  }
0x67: {  	v32 =	vld [tilespmem:s29+$0x8B0]  }
0x68: {  	v33 =	vld [tilespmem:s29+$0x930]  }
0x69: {  	v34 =	vld [tilespmem:s29+$0x9B0]  }
0x6a: {  	v35 =	vld [tilespmem:s29+$0xA30]  }
0x6b: {  	v53 =	vmul.f32 $2.560000000e+02, v12;
	v12 =	vld [tilespmem:s29+$0x840]  }
0x6c: {  	v56 =	vmul.f32 $3.200000000e+01, v15;
	v15 =	vld [tilespmem:s29+$0x8C0]  }
0x6d: {  	v58 =	vmul.f32 $8.000000000e+00, v17;
	v17 =	vld [tilespmem:s29+$0x940]  }
0x6e: {  	v49 =	vadd.f32 v9, v9;
	v9 =	vld [tilespmem:s29+$0x9C0]  }
0x6f: {  	v54 =	vmul.f32 $1.280000000e+02, v13;
	v13 =	vld [tilespmem:s29+$0xA40]  }
0x70: {  	v57 =	vmul.f32 $1.600000000e+01, v16;
	v16 =	vld [tilespmem:s29+$0xAC0]  }
0x71: {  	v59 =	vmul.f32 $4.000000000e+00, v18;
	v18 =	vld [tilespmem:s29+$0xBC0]  }
0x72: {  	v38 =	vmul.f32 $1.280000000e+02, v23;
	v23 =	vld [tilespmem:s29+$0x48C0]  }
0x73: {  	v40 =	vmul.f32 $3.200000000e+01, v25;
	v25 =	vld [tilespmem:s29+$0x850]  }
0x74: {  	v42 =	vmul.f32 $8.000000000e+00, v27;
	v27 =	vld [tilespmem:s29+$0x8D0]  }
0x75: {  	v3 =	vmul.f32 $1.280000000e+02, v3;
	v36 =	vmul.f32 $5.120000000e+02, v21;
	v21 =	vld [tilespmem:s29+$0x950]  }
0x76: {  	v4 =	vmul.f32 $6.400000000e+01, v4;
	v39 =	vmul.f32 $6.400000000e+01, v24;
	v24 =	vld [tilespmem:s29+$0x9D0]  }
0x77: {  	v5 =	vmul.f32 $3.200000000e+01, v5;
	v43 =	vmul.f32 $4.000000000e+00, v28;
	v28 =	vld [tilespmem:s29+$0xA50]  }
0x78: {  	v6 =	vmul.f32 $1.600000000e+01, v6;
	v41 =	vmul.f32 $1.600000000e+01, v26;
	v26 =	vld [tilespmem:s29+$0x860]  }
0x79: {  	v7 =	vmul.f32 $8.000000000e+00, v7;
	v8 =	vmul.f32 $4.000000000e+00, v8;
	v46 =	vadd.f32 v4, v3;
	v3 =	vld [tilespmem:s29+$0xAB0]  }
0x7a: {  	v1 =	vmul.f32 $5.120000000e+02, v1;
	v2 =	vmul.f32 $2.560000000e+02, v2;
	v47 =	vadd.f32 v6, v5;
	v6 =	vld [tilespmem:s29+$0xB30]  }
0x7b: {  	v52 =	vmul.f32 $5.120000000e+02, v11;
	v48 =	vadd.f32 v8, v7;
	v8 =	vld [tilespmem:s29+$0xBB0]  }
0x7c: {  	v55 =	vmul.f32 $6.400000000e+01, v14;
	v61 =	vadd.f32 v19, v19;
	v1 =	vadd.f32 v2, v1;
	v5 =	vld [tilespmem:s29+$0x4830]  }
0x7d: {  	v51 =	vadd.f32 v10, v49;
	v10 =	vld [tilespmem:s29+$0x48B0];
	v7 =	vadd.f32 v53, v52  }
0x7e: {  	v2 =	vadd.f32 v55, v54;
	v14 =	vadd.f32 v20, v61;
	v20 =	vld [tilespmem:s29+$0x4840]  }
0x7f: {  	v60 =	vadd.f32 v57, v56;
	v4 =	vadd.f32 v59, v58;
	v49 =	vmul.f32 $5.120000000e+02, v31;
	v31 =	vld [tilespmem:s29+$0xB50]  }
0x80: {  	v37 =	vmul.f32 $2.560000000e+02, v22;
	v44 =	vadd.f32 v39, v38;
	v11 =	vadd.f32 v43, v42;
	v39 =	vld [tilespmem:s29+$0xB60]  }
0x81: {  	v52 =	vmul.f32 $6.400000000e+01, v34;
	v42 =	vld [tilespmem:s29+$0xBE0];
	v1 =	vadd.f32 v46, v1;
	v50 =	vadd.f32 v48, v47  }
0x82: {  	v53 =	vmul.f32 $3.200000000e+01, v35;
	v43 =	vld [tilespmem:s29+$0x4860];
	v2 =	vadd.f32 v2, v7;
	v4 =	vadd.f32 v4, v60  }
0x83: {  	v7 =	vld [tilespmem:s29+$0xB40];
	v46 =	vadd.f32 v29, v29;
	v61 =	vmul.f32 $5.120000000e+02, v12;
	v0 =	vmul.f32 $1.280000000e+02, v17  }
0x84: {  	v60 =	vld [tilespmem:s29+$0x8E0];
	v9 =	vmul.f32 $6.400000000e+01, v9;
	v13 =	vmul.f32 $3.200000000e+01, v13;
	v1 =	vadd.f32 v50, v1  }
0x85: {  	v16 =	vmul.f32 $1.600000000e+01, v16;
	v2 =	vadd.f32 v4, v2;
	v4 =	vadd.f32 v37, v36;
	v36 =	vld [tilespmem:s29+$0x4850]  }
0x86: {  	s30 =	sshrl.u32 s26, $0x3;
	v48 =	vadd.f32 v30, v46;
	v50 =	vmul.f32 $2.560000000e+02, v32;
	v32 =	vld [tilespmem:s29+$0x960];
	v46 =	vmul.f32 $5.120000000e+02, v25  }
0x87: {  	s28 =	sor.u32 $0x1, s30;
	v37 =	vld [tilespmem:s29+$0xAE0];
	v54 =	vmul.f32 $1.600000000e+01, v3;
	v5 =	vadd.f32 v5, v5;
	v9 =	vadd.f32 v9, v0  }
0x88: {  	s31 =	sshll.u32 s28, $0xA;
	v56 =	vmul.f32 $4.000000000e+00, v8;
	v8 =	vld [tilespmem:s29+$0x48D0];
	v13 =	vadd.f32 v16, v13;
	v1 =	vadd.f32 v1, v51  }
0x89: {  	s31 =	sand.u32 $0x3FFFFC00, s31;
	v55 =	vmul.f32 $8.000000000e+00, v6;
	v16 =	vld [tilespmem:s29+$0x48E0];
	v2 =	vadd.f32 v2, v14;
	v14 =	vadd.f32 v41, v40  }
0x8a: {  	v0 =	vld [tilespmem:s31+$0x880];
	v4 =	vadd.f32 v44, v4;
	v51 =	vmul.f32 $1.280000000e+02, v33;
	v41 =	vmul.f32 $4.000000000e+00, v18  }
0x8b: {  	v33 =	vld [tilespmem:s29+$0xBD0];
	v58 =	vadd.f32 v50, v49;
	v49 =	vmul.f32 $6.400000000e+01, v24;
	v18 =	vmul.f32 $4.000000000e+00, v42  }
0x8c: {  	v24 =	vld [tilespmem:s29+$0x9F0];
	v59 =	vadd.f32 v54, v53;
	v6 =	vadd.f32 v56, v55;
	v40 =	vmul.f32 $8.000000000e+00, v7  }
0x8d: {  	v42 =	vld [tilespmem:s31+$0xB00];
	v5 =	vadd.f32 v10, v5;
	v53 =	vmul.f32 $8.000000000e+00, v31;
	v60 =	vmul.f32 $2.560000000e+02, v60  }
0x8e: {  	v55 =	vld [tilespmem:s29+$0xAF0];
	v1 =	vtrunc.f32 v1;
	v2 =	vtrunc.f32 v2;
	v11 =	vadd.f32 v11, v14  }
0x8f: {  	v56 =	vld [tilespmem:s29+$0xB70];
	v1 =	vcvt.f32.s32 v1;
	v45 =	vcvt.f32.s32 v2;
	v6 =	vadd.f32 v6, v59  }
0x90: {  	v31 =	vld [tilespmem:s31+$0xAF0];
	v7 =	vadd.f32 v41, v40;
	v59 =	vmul.f32 $5.120000000e+02, v26;
	v17 =	vmul.f32 $1.600000000e+01, v37  }
0x91: {  	v14 =	vld [tilespmem:s29+$0xAD0];
	v4 =	vadd.f32 v11, v4;
	v11 =	vadd.f32 v52, v51;
	v51 =	vmul.f32 $3.200000000e+01, v28  }
0x92: {  	v37 =	vld [tilespmem:s31+$0x900];
	v63 =	vand.u32 $0x7F, v1;
	v1 =	vshll.u32 v1, $0x1;
	v47 =	vand.u32 $0x7F, v45  }
0x93: {  	v40 =	vld [tilespmem:s31+$0xA00];
	v22 =	vshll.u32 v45, $0x1;
	v45 =	vadd.f32 v20, v20;
	v7 =	vadd.f32 v7, v13  }
0x94: {  	v41 =	vld [tilespmem:s31+$0xA80];
	v54 =	vmul.f32 $4.000000000e+00, v33;
	v1 =	vand.u32 $0xFFFFFF00, v1;
	v19 =	vadd.f32 v4, v48  }
0x95: {  	v52 =	vld [tilespmem:s29+$0xA70];
	v57 =	vand.u32 $0xFFFFFF00, v22;
	v11 =	vadd.f32 v11, v58;
	v48 =	vmul.f32 $1.280000000e+02, v21  }
0x96: {  	v33 =	vld [tilespmem:s31+$0x48A0];
	v58 =	vadd.f32 v36, v36;
	v20 =	vmul.f32 $8.000000000e+00, v56;
	v56 =	vmul.f32 $2.560000000e+02, v0  }
0x97: {  	v22 =	vld [tilespmem:s29+$0x9E0];
	v1 =	vor.u32 v63, v1;
	v3 =	vor.u32 v47, v57;
	v63 =	vmul.f32 $2.560000000e+02, v15  }
0x98: {  	v0 =	vld [tilespmem:s31+$0xB90];
	v12 =	vadd.f32 v23, v45;
	v47 =	vmul.f32 $2.560000000e+02, v27;
	v14 =	vmul.f32 $1.600000000e+01, v14  }
0x99: {  	v15 =	vld [tilespmem:s29+$0xA60];
	v4 =	vor.u32 $0x80, v3;
	v19 =	vtrunc.f32 v19;
	v6 =	vadd.f32 v6, v11  }
0x9a: {  	v23 =	vld [tilespmem:s29+$0x970];
	v8 =	vadd.f32 v8, v58;
	v11 =	vadd.f32 v43, v43;
	v58 =	vmul.f32 $1.280000000e+02, v37  }
0x9b: {  	v57 =	vld [tilespmem:s29+$0xBF0];
	v19 =	vcvt.f32.s32 v19;
	v10 =	vadd.f32 v63, v61;
	v13 =	vadd.f32 v47, v46  }
0x9c: {  	v27 =	vld [tilespmem:s29+$0x4870];
	v14 =	vadd.f32 v14, v51;
	v63 =	vmul.f32 $1.280000000e+02, v32;
	v52 =	vmul.f32 $3.200000000e+01, v52  }
0x9d: {  	v61 =	vld [tilespmem:s31+$0x800];
	v6 =	vadd.f32 v6, v5;
	v11 =	vadd.f32 v16, v11;
	v38 =	vand.u32 $0x7F, v19  }
0x9e: {  	v43 =	vld [tilespmem:s31+$0xB80];
	v19 =	vshll.u32 v19, $0x1;
	v9 =	vadd.f32 v9, v10;
	v22 =	vmul.f32 $6.400000000e+01, v22  }
0x9f: {  	v37 =	vld [tilespmem:s31+$0x4810];
	v44 =	vand.u32 $0xFFFFFF00, v19;
	v6 =	vtrunc.f32 v6;
	v15 =	vmul.f32 $3.200000000e+01, v15  }
0xa0: {  	v10 =	vld [tilespmem:s29+$0x8F0];
	v21 =	vmul.f32 $4.000000000e+00, v57;
	v5 =	vor.u32 v38, v44;
	v6 =	vcvt.f32.s32 v6  }
0xa1: {  	v19 =	vld [tilespmem:s29+$0x870];
	v7 =	vadd.f32 v7, v9;
	v9 =	vadd.f32 v49, v48;
	v38 =	vmul.f32 $8.000000000e+00, v39  }
0xa2: {  	v57 =	vld [tilespmem:s31+$0xA10];
	v49 =	vmul.f32 $1.280000000e+02, v23;
	v15 =	vadd.f32 v17, v15;
	v26 =	vmul.f32 $5.120000000e+02, v61  }
0xa3: {  	v39 =	vld [tilespmem:s31+$0x980];
	v20 =	vadd.f32 v21, v20;
	v17 =	vmul.f32 $1.600000000e+01, v41;
	v50 =	vand.u32 $0x7F, v6  }
0xa4: {  	v44 =	vld [tilespmem:s31+$0x4800];
	v7 =	vadd.f32 v7, v12;
	v6 =	vshll.u32 v6, $0x1;
	v12 =	vadd.f32 v54, v53  }
0xa5: {  	v46 =	vld [tilespmem:s31+$0x4880];
	v9 =	vadd.f32 v9, v13;
	v53 =	vmul.f32 $1.600000000e+01, v55;
	v6 =	vand.u32 $0xFFFFFF00, v6  }
0xa6: {  	v51 =	vld [tilespmem:s31+$0x890];
	v10 =	vmul.f32 $2.560000000e+02, v10;
	v26 =	vadd.f32 v56, v26;
	v6 =	vor.u32 v50, v6  }
0xa7: {  	v48 =	vld [tilespmem:s31+$0x810];
	v7 =	vtrunc.f32 v7;
	v12 =	vadd.f32 v12, v14;
	v14 =	vadd.f32 v60, v59  }
0xa8: {  	v61 =	vld [tilespmem:s31+$0xB10];
	v47 =	vmul.f32 $5.120000000e+02, v19;
	v50 =	vmul.f32 $6.400000000e+01, v24;
	v16 =	vadd.f32 v53, v52  }
0xa9: {  	v41 =	vld [tilespmem:s31+$0x8A0];
	v52 =	vmul.f32 $3.200000000e+01, v57;
	v59 =	vmul.f32 $6.400000000e+01, v39;
	v39 =	vadd.f32 v44, v44  }
0xaa: {  	v13 =	vld [tilespmem:s29+$0x48F0];
	v7 =	vcvt.f32.s32 v7;
	v9 =	vadd.f32 v12, v9;
	v12 =	vadd.f32 v22, v63  }
0xab: {  	v60 =	vld [tilespmem:s31+$0xA90];
	v10 =	vadd.f32 v10, v47;
	v22 =	vmul.f32 $3.200000000e+01, v40;
	v16 =	vadd.f32 v20, v16  }
0xac: {  	v54 =	vld [tilespmem:s31+$0x910];
	v63 =	vmul.f32 $8.000000000e+00, v42;
	v8 =	vadd.f32 v9, v8;
	v9 =	vadd.f32 v18, v38  }
0xad: {  	v55 =	vld [tilespmem:s31+$0x990];
	v36 =	vand.u32 $0x7F, v7;
	v7 =	vshll.u32 v7, $0x1;
	v21 =	vadd.f32 v59, v58  }
0xae: {  	v44 =	vld [tilespmem:s31+$0x9A0];
	v7 =	vand.u32 $0xFFFFFF00, v7;
	v12 =	vadd.f32 v12, v14;
	v9 =	vadd.f32 v9, v15  }
0xaf: {  	v47 =	vld [tilespmem:s31+$0xA20];
	v14 =	vmul.f32 $4.000000000e+00, v43;
	v17 =	vadd.f32 v17, v22;
	v18 =	vmul.f32 $4.000000000e+00, v0  }
0xb0: {  	v56 =	vld [tilespmem:s31+$0xBA0];
	v7 =	vor.u32 v36, v7;
	v53 =	vmul.f32 $1.600000000e+01, v60;
	v9 =	vadd.f32 v9, v12  }
0xb1: {  	v8 =	vtrunc.f32 v8;
	v12 =	vadd.f32 v46, v39;
	v46 =	vmul.f32 $2.560000000e+02, v51;
	v51 =	vld [tilespmem:s31+$0xAA0]  }
0xb2: {  	v57 =	vld [tilespmem:s31+$0x4820];
	v15 =	vor.u32 $0x80, v5;
	v8 =	vcvt.f32.s32 v8;
	v9 =	vadd.f32 v9, v11  }
0xb3: {  	v42 =	vld [tilespmem:s31+$0x920];
	v11 =	vadd.f32 v50, v49;
	v50 =	vmul.f32 $6.400000000e+01, v55;
	v55 =	vmul.f32 $8.000000000e+00, v61  }
0xb4: {  	v40 =	vld [tilespmem:s31+$0x820];
	v20 =	vmul.f32 $6.400000000e+01, v44;
	v19 =	vadd.f32 v53, v52;
	v59 =	vmul.f32 $3.200000000e+01, v47  }
0xb5: {  	v38 =	vld [tilespmem:s31+$0x4890];
	v45 =	vand.u32 $0x7F, v8;
	v8 =	vshll.u32 v8, $0x1;
	v18 =	vadd.f32 v18, v55  }
0xb6: {  	v49 =	vmul.f32 $1.280000000e+02, v54;
	v54 =	vld [tilespmem:s31+$0xB20];
	v10 =	vadd.f32 v11, v10;
	v60 =	vmul.f32 $1.600000000e+01, v51  }
0xb7: {  	v8 =	vand.u32 $0xFFFFFF00, v8;
	v11 =	vadd.f32 v14, v63;
	v61 =	vadd.f32 v18, v19;
	v19 =	vld.idx.msk [tilespmem:v3+s5+$0x0], $0xffff  }
0xb8: {  	v10 =	vadd.f32 v16, v10;
	v16 =	vmul.f32 $1.280000000e+02, v42;
	v35 =	vadd.f32 v60, v59;
	v59 =	vld [tilespmem:s31+$0x8B0]  }
0xb9: {  	v21 =	vadd.f32 v21, v26;
	v8 =	vor.u32 v45, v8;
	v11 =	vadd.f32 v11, v17;
	v60 =	vld [tilespmem:s31+$0x8C0]  }
0xba: {  	v22 =	vmul.f32 $5.120000000e+02, v40;
	v17 =	vmul.f32 $2.560000000e+02, v41;
	v16 =	vadd.f32 v20, v16;
	v20 =	vld.idx.msk [tilespmem:v4+s5+$0x0], $0xffff  }
0xbb: {  	v11 =	vadd.f32 v11, v21;
	v21 =	vld.idx.msk [tilespmem:v5+s5+$0x0], $0xffff  }
0xbc: {  	v17 =	vadd.f32 v17, v22;
	v22 =	vld.idx.msk [tilespmem:v15+s5+$0x0], $0xffff  }
0xbd: {  	v15 =	vld.idx.msk [tilespmem:v7+s5+$0x0], $0xffff  }
0xbe: {  	v32 =	vmul.f32 $4.000000000e+00, v56;
	v30 =	vor.u32 $0x80, v7;
	v63 =	vmul.f32 $8.000000000e+00, v54;
	v18 =	vld.idx.msk [tilespmem:v8+s5+$0x0], $0xffff  }
0xbf: {  	v27 =	vadd.f32 v27, v27;
	v26 =	vor.u32 $0x80, v8;
	v4 =	vld [tilespmem:s31+$0x4830]  }
0xc0: {  	v36 =	vadd.f32 v32, v63;
	v63 =	vld [tilespmem:s31+$0x9C0]  }
0xc1: {  	v13 =	vadd.f32 v13, v27;
	v32 =	vld [tilespmem:s31+$0x8F0]  }
0xc2: {  	v45 =	vmul.f32 $5.120000000e+02, v48;
	v48 =	vadd.f32 v11, v12;
	v12 =	vld.idx.msk [tilespmem:v1+s5+$0x0], $0xffff  }
0xc3: {  	v2 =	vor.u32 $0x80, v1;
	v10 =	vadd.f32 v10, v13;
	v39 =	vadd.f32 v16, v17;
	v16 =	vld.idx.msk [tilespmem:v30+s5+$0x0], $0xffff  }
0xc4: {  	v9 =	vtrunc.f32 v9;
	v17 =	vld.idx.msk [tilespmem:v26+s5+$0x0], $0xffff  }
0xc5: {  	v28 =	vadd.f32 v37, v37;
	v9 =	vcvt.f32.s32 v9;
	v34 =	vtrunc.f32 v10;
	v26 =	vld [tilespmem:s31+$0x9B0]  }
0xc6: {  	v13 =	vadd.f32 v46, v45;
	v11 =	vadd.f32 v50, v49;
	v3 =	vcvt.f32.s32 v34;
	v34 =	vld [tilespmem:s31+$0x970]  }
0xc7: {  	v37 =	vadd.f32 v57, v57;
	v40 =	vadd.f32 v36, v35;
	v35 =	vld [tilespmem:s31+$0xB70]  }
0xc8: {  	v43 =	vand.u32 $0x7F, v9;
	v9 =	vshll.u32 v9, $0x1;
	v58 =	vadd.f32 v11, v13;
	v13 =	vld.idx.msk [tilespmem:v2+s5+$0x0], $0xffff  }
0xc9: {  	v9 =	vand.u32 $0xFFFFFF00, v9;
	v11 =	vld.idx.msk [tilespmem:v6+s5+$0x0], $0xffff  }
0xca: {  	v14 =	vadd.f32 v38, v28;
	v38 =	vor.u32 v43, v9;
	v2 =	vadd.f32 v33, v37;
	v37 =	vld [tilespmem:s31+$0xA40]  }
0xcb: {  	v24 =	vmul.f32 $2.560000000e+02, v59;
	v59 =	vld [tilespmem:s31+$0xB60]  }
0xcc: {  	v5 =	vadd.f32 v40, v39;
	v39 =	vld [tilespmem:s31+$0xB40]  }
0xcd: {  	v43 =	vtrunc.f32 v48;
	v40 =	vld [tilespmem:s31+$0xBC0]  }
0xce: {  	v25 =	vor.u32 $0x80, v6;
	v6 =	vcvt.f32.s32 v43;
	v43 =	vld [tilespmem:s31+$0x850]  }
0xcf: {  	v41 =	vor.u32 $0x80, v38;
	v10 =	vld.idx.msk [tilespmem:v38+s5+$0x0], $0xffff  }
0xd0: {  	v1 =	vadd.f32 v61, v58;
	v58 =	vld [tilespmem:s31+$0x830]  }
0xd1: {  	v61 =	vld [tilespmem:s31+$0x940]  }
0xd2: {  	v42 =	vshll.u32 v3, $0x1;
	v38 =	vld [tilespmem:s31+$0xAC0]  }
0xd3: {  	v44 =	vand.u32 $0xFFFFFF00, v42;
	v42 =	vld [tilespmem:s31+$0x48C0]  }
0xd4: {  	v8 =	vld.idx.msk [tilespmem:v41+s5+$0x0], $0xffff  }
0xd5: {  	v2 =	vadd.f32 v5, v2;
	v5 =	vld [tilespmem:s31+$0x48B0]  }
0xd6: {  	v3 =	vand.u32 $0x7F, v3;
	v41 =	vld [tilespmem:s31+$0x4840]  }
0xd7: {  	v3 =	vor.u32 v3, v44;
	v44 =	vld [tilespmem:s31+$0x8D0]  }
0xd8: {  	v46 =	vshll.u32 v6, $0x1;
	v1 =	vadd.f32 v1, v14;
	v14 =	vld.idx.msk [tilespmem:v25+s5+$0x0], $0xffff  }
0xd9: {  	v6 =	vand.u32 $0x7F, v6;
	v7 =	vand.u32 $0xFFFFFF00, v46;
	v25 =	vld [tilespmem:s31+$0x930]  }
0xda: {  	v46 =	vld [tilespmem:s31+$0x9D0];
	v2 =	vtrunc.f32 v2;
	v6 =	vor.u32 v6, v7  }
0xdb: {  	v2 =	vcvt.f32.s32 v2;
	v23 =	vmul.f32 $5.120000000e+02, v58;
	v58 =	vld [tilespmem:s31+$0xAE0]  }
0xdc: {  	v9 =	vld.idx.msk [tilespmem:v3+s5+$0x0], $0xffff  }
0xdd: {  	v45 =	vor.u32 $0x80, v3;
	v1 =	vtrunc.f32 v1;
	v49 =	vshll.u32 v2, $0x1;
	v3 =	vld [tilespmem:s31+$0xBB0]  }
0xde: {  	v1 =	vcvt.f32.s32 v1;
	v51 =	vand.u32 $0xFFFFFF00, v49;
	v49 =	vld [tilespmem:s31+$0xB50]  }
0xdf: {  	v48 =	vor.u32 $0x80, v6;
	v0 =	vld.idx.msk [tilespmem:v6+s5+$0x0], $0xffff  }
0xe0: {  	v47 =	vshll.u32 v1, $0x1;
	v6 =	vld [tilespmem:s31+$0x840]  }
0xe1: {  	v2 =	vand.u32 $0x7F, v2;
	v7 =	vand.u32 $0xFFFFFF00, v47;
	v47 =	vld [tilespmem:s31+$0xA50]  }
0xe2: {  	v1 =	vand.u32 $0x7F, v1;
	v2 =	vor.u32 v2, v51;
	v51 =	vld [tilespmem:s31+$0x4850]  }
0xe3: {  	v1 =	vor.u32 v1, v7;
	v7 =	vld.idx.msk [tilespmem:v45+s5+$0x0], $0xffff  }
0xe4: {  	v53 =	vld.idx.msk [tilespmem:v48+s5+$0x0], $0xffff  }
0xe5: {  	v45 =	vld [tilespmem:s31+$0x950]  }
0xe6: {  	v52 =	vor.u32 $0x80, v2;
	v48 =	vld [tilespmem:s31+$0xAD0]  }
0xe7: {  	v56 =	vld.idx.msk [tilespmem:v2+s5+$0x0], $0xffff  }
0xe8: {  	[tilespmem:$0x1FF60] =	vst v0;
	v0 =	vld [tilespmem:s31+$0xA30]  }
0xe9: {  	v2 =	vld [tilespmem:s31+$0xB30]  }
0xea: {  	v50 =	vor.u32 $0x80, v1;
	v54 =	vld.idx.msk [tilespmem:v1+s5+$0x0], $0xffff  }
0xeb: {  	v57 =	vld.idx.msk [tilespmem:v52+s5+$0x0], $0xffff  }
0xec: {  	v1 =	vld [tilespmem:s31+$0xAB0]  }
0xed: {  	v52 =	vld [tilespmem:s31+$0x48D0]  }
0xee: {  	[tilespmem:$0x1FF70] =	vst v53;
	v53 =	vld [tilespmem:s31+$0x860]  }
0xef: {  	v55 =	vld.idx.msk [tilespmem:v50+s5+$0x0], $0xffff  }
0xf0: {  	v26 =	vmul.f32 $6.400000000e+01, v26;
	v25 =	vmul.f32 $1.280000000e+02, v25;
	v50 =	vld [tilespmem:s31+$0xBD0]  }
0xf1: {  	[tilespmem:$0x1FFA0] =	vst v56;
	v56 =	vld [tilespmem:s31+$0x9E0]  }
0xf2: {  	v27 =	vmul.f32 $3.200000000e+01, v0;
	v0 =	vadd.f32 v26, v25;
	v25 =	vld [tilespmem:s31+$0xBE0]  }
0xf3: {  	v60 =	vmul.f32 $2.560000000e+02, v60;
	[tilespmem:$0x1FF80] =	vst v54;
	v54 =	vld [tilespmem:s31+$0x8E0]  }
0xf4: {  	v30 =	vmul.f32 $4.000000000e+00, v3;
	v29 =	vmul.f32 $8.000000000e+00, v2;
	[tilespmem:$0x1FFB0] =	vst v57;
	v57 =	vld [tilespmem:s31+$0xA60]  }
0xf5: {  	v63 =	vmul.f32 $6.400000000e+01, v63;
	v23 =	vadd.f32 v24, v23;
	v28 =	vmul.f32 $1.600000000e+01, v1;
	[tilespmem:$0x1FF90] =	vst v55;
	v55 =	vld [tilespmem:s31+$0x960]  }
0xf6: {  	v61 =	vmul.f32 $1.280000000e+02, v61;
	v6 =	vmul.f32 $5.120000000e+02, v6;
	v2 =	vadd.f32 v30, v29;
	v30 =	vld [tilespmem:s31+$0x48E0]  }
0xf7: {  	v23 =	vadd.f32 v0, v23;
	v0 =	vmul.f32 $3.200000000e+01, v37;
	v37 =	vld [tilespmem:s31+$0x9F0];
	v1 =	vadd.f32 v28, v27  }
0xf8: {  	v24 =	vadd.f32 v63, v61;
	v29 =	vadd.f32 v60, v6;
	v28 =	vld [tilespmem:s31+$0x4860]  }
0xf9: {  	v3 =	vadd.f32 v4, v4;
	v27 =	vld [tilespmem:s31+$0x870];
	v4 =	vadd.f32 v2, v1  }
0xfa: {  	v24 =	vadd.f32 v24, v29;
	v29 =	vld [tilespmem:s31+$0x4870]  }
0xfb: {  	s29 =	sor.u32 $0x2, s30;
	v5 =	vadd.f32 v5, v3;
	v2 =	vmul.f32 $8.000000000e+00, v39;
	v39 =	vld [tilespmem:s31+$0xA70];
	v23 =	vadd.f32 v4, v23  }
0xfc: {  	s0 =	sshll.u32 s29, $0xA;
	v3 =	vmul.f32 $4.000000000e+00, v40;
	v1 =	vmul.f32 $1.600000000e+01, v38;
	v38 =	vld [tilespmem:s31+$0xBF0]  }
0xfd: {  	v23 =	vadd.f32 v23, v5;
	v5 =	vadd.f32 v41, v41;
	v41 =	vld [tilespmem:s31+$0x48F0];
	s31 =	sand.u32 $0x3FFFFC00, s0  }
0xfe: {  	v60 =	vmul.f32 $5.120000000e+02, v43;
	v4 =	vadd.f32 v1, v0;
	v26 =	vadd.f32 v3, v2;
	v43 =	vld [tilespmem:s31+$0x800]  }
0xff: {  	v2 =	vmul.f32 $3.200000000e+01, v47;
	v47 =	vld [tilespmem:s31+$0x880]  }
0x100: {  	v26 =	vadd.f32 v26, v4;
	v4 =	vmul.f32 $8.000000000e+00, v49;
	v49 =	vld [tilespmem:s31+$0x900]  }
0x101: {  	v40 =	vld [tilespmem:s31+$0x980]  }
0x102: {  	v34 =	vmul.f32 $1.280000000e+02, v34;
	v63 =	vmul.f32 $1.280000000e+02, v45;
	v45 =	vld [tilespmem:s31+$0xA00]  }
0x103: {  	v61 =	vmul.f32 $2.560000000e+02, v44;
	v3 =	vmul.f32 $1.600000000e+01, v48;
	v48 =	vld [tilespmem:s31+$0xA80]  }
0x104: {  	v0 =	vmul.f32 $6.400000000e+01, v46;
	v37 =	vmul.f32 $6.400000000e+01, v37;
	v46 =	vld [tilespmem:s31+$0xB80]  }
0x105: {  	v31 =	vmul.f32 $1.600000000e+01, v31;
	v36 =	vadd.f32 v61, v60;
	v60 =	vadd.f32 v51, v51;
	v51 =	vld [tilespmem:s31+$0x4800]  }
0x106: {  	v25 =	vmul.f32 $4.000000000e+00, v25;
	v34 =	vadd.f32 v37, v34;
	v37 =	vld [tilespmem:s31+$0x820];
	v24 =	vadd.f32 v26, v24  }
0x107: {  	v39 =	vmul.f32 $3.200000000e+01, v39;
	v26 =	vadd.f32 v0, v63;
	v63 =	vadd.f32 v52, v60;
	v52 =	vld [tilespmem:s31+$0x910]  }
0x108: {  	v28 =	vadd.f32 v28, v28;
	v29 =	vadd.f32 v29, v29;
	v0 =	vmul.f32 $5.120000000e+02, v53;
	v53 =	vld [tilespmem:s31+$0x4810]  }
0x109: {  	v27 =	vmul.f32 $5.120000000e+02, v27;
	v6 =	vadd.f32 v42, v5;
	v31 =	vadd.f32 v31, v39;
	v39 =	vld [tilespmem:s31+$0x8A0]  }
0x10a: {  	v23 =	vtrunc.f32 v23;
	v5 =	vmul.f32 $4.000000000e+00, v50;
	v26 =	vadd.f32 v26, v36;
	v36 =	vld [tilespmem:s31+$0xB00]  }
0x10b: {  	v24 =	vadd.f32 v24, v6;
	v6 =	vadd.f32 v3, v2;
	v3 =	vmul.f32 $6.400000000e+01, v56;
	v56 =	vld [tilespmem:s31+$0x810]  }
0x10c: {  	v23 =	vcvt.f32.s32 v23;
	v33 =	vadd.f32 v5, v4;
	v4 =	vmul.f32 $3.200000000e+01, v57;
	v57 =	vld [tilespmem:s31+$0x890]  }
0x10d: {  	v28 =	vadd.f32 v30, v28;
	v2 =	vmul.f32 $1.280000000e+02, v55;
	v5 =	vmul.f32 $1.600000000e+01, v58;
	v55 =	vld [tilespmem:s31+$0x990]  }
0x10e: {  	v58 =	vld [tilespmem:s31+$0xA10];
	v1 =	vand.u32 $0x7F, v23;
	v23 =	vshll.u32 v23, $0x1;
	v24 =	vtrunc.f32 v24  }
0x10f: {  	v33 =	vadd.f32 v33, v6;
	v60 =	vadd.f32 v3, v2;
	v3 =	vmul.f32 $4.000000000e+00, v38;
	v38 =	vld [tilespmem:s31+$0x4890]  }
0x110: {  	v6 =	vmul.f32 $8.000000000e+00, v59;
	v44 =	vadd.f32 v5, v4;
	v4 =	vmul.f32 $5.120000000e+02, v43;
	v43 =	vld [tilespmem:s31+$0xA20]  }
0x111: {  	v29 =	vadd.f32 v41, v29;
	v2 =	vmul.f32 $8.000000000e+00, v35;
	v5 =	vmul.f32 $2.560000000e+02, v47;
	v47 =	vld [tilespmem:s31+$0xAA0]  }
0x112: {  	v23 =	vand.u32 $0xFFFFFF00, v23;
	v40 =	vmul.f32 $6.400000000e+01, v40;
	v45 =	vmul.f32 $3.200000000e+01, v45;
	v59 =	vld [tilespmem:s31+$0xB20]  }
0x113: {  	v48 =	vmul.f32 $1.600000000e+01, v48;
	v23 =	vor.u32 v1, v23;
	v1 =	vmul.f32 $2.560000000e+02, v54;
	v54 =	vld [tilespmem:s31+$0x4880]  }
0x114: {  	v24 =	vcvt.f32.s32 v24;
	v42 =	vadd.f32 v25, v6;
	v6 =	vmul.f32 $1.280000000e+02, v49;
	v49 =	vld [tilespmem:s31+$0xB30]  }
0x115: {  	v26 =	vadd.f32 v33, v26;
	v33 =	vadd.f32 v1, v0;
	v0 =	vmul.f32 $2.560000000e+02, v32;
	v32 =	vld [tilespmem:s31+$0xB10]  }
0x116: {  	v37 =	vmul.f32 $5.120000000e+02, v37;
	v35 =	vadd.f32 v3, v2;
	v3 =	vmul.f32 $5.120000000e+02, v56;
	v56 =	vld [tilespmem:s31+$0xB60]  }
0x117: {  	v39 =	vmul.f32 $2.560000000e+02, v39;
	v61 =	vand.u32 $0x7F, v24;
	v42 =	vadd.f32 v42, v44;
	v44 =	vld [tilespmem:s31+$0xA90]  }
0x118: {  	v31 =	vadd.f32 v35, v31;
	v35 =	vadd.f32 v5, v4;
	v4 =	vmul.f32 $2.560000000e+02, v57;
	v57 =	vld [tilespmem:s31+$0xA30]  }
0x119: {  	v24 =	vshll.u32 v24, $0x1;
	v30 =	vadd.f32 v0, v27;
	v0 =	vadd.f32 v48, v45;
	v45 =	vld [tilespmem:s31+$0x48A0]  }
0x11a: {  	v24 =	vand.u32 $0xFFFFFF00, v24;
	v26 =	vadd.f32 v26, v63;
	v33 =	vadd.f32 v60, v33;
	v48 =	vld [tilespmem:s31+$0x830]  }
0x11b: {  	v5 =	vmul.f32 $1.280000000e+02, v52;
	v37 =	vadd.f32 v39, v37;
	v41 =	vadd.f32 v4, v3;
	v4 =	vld [tilespmem:s31+$0x9C0]  }
0x11c: {  	v26 =	vtrunc.f32 v26;
	v33 =	vadd.f32 v42, v33;
	v42 =	vld [tilespmem:s31+$0xB90];
	v30 =	vadd.f32 v34, v30  }
0x11d: {  	v24 =	vor.u32 v61, v24;
	v43 =	vmul.f32 $3.200000000e+01, v43;
	v61 =	vcvt.f32.s32 v26;
	v34 =	vld [tilespmem:s31+$0x9A0]  }
0x11e: {  	v47 =	vmul.f32 $1.600000000e+01, v47;
	v30 =	vadd.f32 v31, v30;
	v31 =	vadd.f32 v40, v6;
	v40 =	vld [tilespmem:s31+$0x4820]  }
0x11f: {  	v25 =	vor.u32 $0x80, v24;
	v1 =	vshll.u32 v61, $0x1;
	v6 =	vmul.f32 $6.400000000e+01, v55;
	v55 =	vld [tilespmem:s31+$0x940]  }
0x120: {  	v63 =	vand.u32 $0x7F, v61;
	v50 =	vand.u32 $0xFFFFFF00, v1;
	v1 =	vadd.f32 v51, v51;
	v51 =	vld [tilespmem:s31+$0x930]  }
0x121: {  	v3 =	vmul.f32 $8.000000000e+00, v59;
	v33 =	vadd.f32 v33, v28;
	v27 =	vor.u32 v63, v50;
	v50 =	vld [tilespmem:s31+$0x920]  }
0x122: {  	v61 =	vmul.f32 $8.000000000e+00, v36;
	v63 =	vmul.f32 $4.000000000e+00, v46;
	v46 =	vld [tilespmem:s31+$0xBA0];
	v31 =	vadd.f32 v31, v35  }
0x123: {  	v26 =	vor.u32 $0x80, v23;
	v35 =	vadd.f32 v6, v5;
	v5 =	vadd.f32 v47, v43;
	v43 =	vld [tilespmem:s31+$0xAC0]  }
0x124: {  	v49 =	vmul.f32 $8.000000000e+00, v49;
	v36 =	vadd.f32 v63, v61;
	v63 =	vmul.f32 $4.000000000e+00, v42;
	v42 =	vld [tilespmem:s31+$0xAB0]  }
0x125: {  	v32 =	vmul.f32 $8.000000000e+00, v32;
	v33 =	vtrunc.f32 v33;
	v35 =	vadd.f32 v35, v41;
	v41 =	vld [tilespmem:s31+$0x48B0]  }
0x126: {  	v30 =	vadd.f32 v30, v29;
	v33 =	vcvt.f32.s32 v33;
	v61 =	vmul.f32 $3.200000000e+01, v58;
	v58 =	vld [tilespmem:s31+$0x4840]  }
0x127: {  	v44 =	vmul.f32 $1.600000000e+01, v44;
	v4 =	vmul.f32 $6.400000000e+01, v4;
	v2 =	vadd.f32 v36, v0;
	v36 =	vld [tilespmem:s31+$0x8B0]  }
0x128: {  	v30 =	vtrunc.f32 v30;
	v60 =	vand.u32 $0x7F, v33;
	v0 =	vadd.f32 v53, v53;
	v53 =	vld [tilespmem:s31+$0x4830]  }
0x129: {  	v33 =	vshll.u32 v33, $0x1;
	v44 =	vadd.f32 v44, v61;
	v61 =	vmul.f32 $5.120000000e+02, v48;
	v48 =	vld [tilespmem:s31+$0x850]  }
0x12a: {  	v33 =	vand.u32 $0xFFFFFF00, v33;
	v32 =	vadd.f32 v63, v32;
	v63 =	vmul.f32 $1.280000000e+02, v51;
	v51 =	vld [tilespmem:s31+$0x9D0]  }
0x12b: {  	v30 =	vcvt.f32.s32 v30;
	v29 =	vor.u32 v60, v33;
	v33 =	vadd.f32 v54, v1;
	v54 =	vld [tilespmem:s31+$0x9B0]  }
0x12c: {  	v34 =	vmul.f32 $6.400000000e+01, v34;
	v40 =	vadd.f32 v40, v40;
	v1 =	vmul.f32 $1.280000000e+02, v50;
	v50 =	vld [tilespmem:s31+$0x8C0]  }
0x12d: {  	v60 =	vand.u32 $0x7F, v30;
	v31 =	vadd.f32 v2, v31;
	v32 =	vadd.f32 v32, v44;
	v44 =	vld [tilespmem:s31+$0x840]  }
0x12e: {  	v30 =	vshll.u32 v30, $0x1;
	v34 =	vadd.f32 v34, v1;
	v1 =	vmul.f32 $3.200000000e+01, v57;
	v57 =	vld [tilespmem:s31+$0x950]  }
0x12f: {  	v46 =	vmul.f32 $4.000000000e+00, v46;
	v40 =	vadd.f32 v45, v40;
	v31 =	vadd.f32 v31, v33;
	v33 =	vld [tilespmem:s31+$0xBB0]  }
0x130: {  	v43 =	vmul.f32 $1.600000000e+01, v43;
	v42 =	vmul.f32 $1.600000000e+01, v42;
	v32 =	vadd.f32 v32, v35;
	v35 =	vld [tilespmem:s31+$0xA40]  }
0x131: {  	v30 =	vand.u32 $0xFFFFFF00, v30;
	v38 =	vadd.f32 v38, v0;
	v34 =	vadd.f32 v34, v37;
	v37 =	vld [tilespmem:s31+$0x48C0]  }
0x132: {  	v36 =	vmul.f32 $2.560000000e+02, v36;
	v42 =	vadd.f32 v42, v1;
	v1 =	vmul.f32 $5.120000000e+02, v48;
	v48 =	vld [tilespmem:s31+$0xA60]  }
0x133: {  	v31 =	vtrunc.f32 v31;
	v32 =	vadd.f32 v32, v38;
	v38 =	vadd.f32 v46, v3;
	v46 =	vld [tilespmem:s31+$0xB40]  }
0x134: {  	v30 =	vor.u32 v60, v30;
	v0 =	vmul.f32 $6.400000000e+01, v54;
	v54 =	vld [tilespmem:s31+$0x8D0];
	v3 =	vmul.f32 $1.280000000e+02, v55  }
0x135: {  	v31 =	vcvt.f32.s32 v31;
	v36 =	vadd.f32 v36, v61;
	v60 =	vadd.f32 v38, v5;
	v38 =	vld [tilespmem:s31+$0xBC0]  }
0x136: {  	v32 =	vtrunc.f32 v32;
	v5 =	vld [tilespmem:s31+$0xAD0];
	v61 =	vadd.f32 v4, v3;
	v4 =	vmul.f32 $6.400000000e+01, v51  }
0x137: {  	v51 =	vld [tilespmem:s31+$0xAE0];
	v2 =	vand.u32 $0x7F, v31;
	v31 =	vshll.u32 v31, $0x1;
	v6 =	vcvt.f32.s32 v32  }
0x138: {  	v33 =	vmul.f32 $4.000000000e+00, v33;
	v31 =	vand.u32 $0xFFFFFF00, v31;
	v34 =	vadd.f32 v60, v34;
	v60 =	vld [tilespmem:s31+$0xB50]  }
0x139: {  	v35 =	vmul.f32 $3.200000000e+01, v35;
	v31 =	vor.u32 v2, v31;
	v2 =	vmul.f32 $2.560000000e+02, v50;
	v50 =	vld [tilespmem:s31+$0xA50]  }
0x13a: {  	v59 =	vand.u32 $0x7F, v6;
	v45 =	vshll.u32 v6, $0x1;
	v6 =	vmul.f32 $8.000000000e+00, v46;
	v46 =	vld [tilespmem:s31+$0xBD0]  }
0x13b: {  	v28 =	vor.u32 $0x80, v27;
	v53 =	vadd.f32 v53, v53;
	v33 =	vadd.f32 v33, v49;
	v49 =	vld [tilespmem:s31+$0x4850]  }
0x13c: {  	v44 =	vmul.f32 $5.120000000e+02, v44;
	v35 =	vadd.f32 v43, v35;
	v43 =	vld.idx.msk [tilespmem:v23+s5+$0x0], $0xffff;
	v34 =	vadd.f32 v34, v40  }
0x13d: {  	v40 =	vadd.f32 v0, v63;
	v45 =	vand.u32 $0xFFFFFF00, v45;
	v63 =	vadd.f32 v58, v58;
	v58 =	vld [tilespmem:s31+$0xBE0]  }
0x13e: {  	v39 =	vor.u32 $0x80, v29;
	v41 =	vadd.f32 v41, v53;
	v55 =	vor.u32 v59, v45;
	v45 =	vld [tilespmem:s31+$0x860]  }
0x13f: {  	v38 =	vmul.f32 $4.000000000e+00, v38;
	v44 =	vadd.f32 v2, v44;
	v33 =	vadd.f32 v33, v42;
	v42 =	vld [tilespmem:s31+$0x9E0]  }
0x140: {  	v3 =	vmul.f32 $1.280000000e+02, v57;
	v57 =	vmul.f32 $8.000000000e+00, v56;
	v36 =	vadd.f32 v40, v36;
	v40 =	vld [tilespmem:s31+$0x48D0]  }
0x141: {  	v34 =	vtrunc.f32 v34;
	v38 =	vadd.f32 v38, v6;
	v0 =	vadd.f32 v61, v44;
	v44 =	vld.idx.msk [tilespmem:v26+s5+$0x0], $0xffff  }
0x142: {  	v2 =	vmul.f32 $2.560000000e+02, v54;
	v34 =	vcvt.f32.s32 v34;
	v33 =	vadd.f32 v33, v36;
	v36 =	vld [tilespmem:s31+$0x960]  }
0x143: {  	v6 =	vmul.f32 $8.000000000e+00, v60;
	v46 =	vmul.f32 $4.000000000e+00, v46;
	v35 =	vadd.f32 v38, v35;
	v38 =	vld [tilespmem:s31+$0x8E0]  }
0x144: {  	v47 =	vor.u32 $0x80, v55;
	v33 =	vadd.f32 v33, v41;
	v41 =	vadd.f32 v2, v1;
	v1 =	vld [tilespmem:s31+$0x4860]  }
0x145: {  	v37 =	vadd.f32 v37, v63;
	v60 =	vshll.u32 v34, $0x1;
	v63 =	vadd.f32 v46, v6;
	v46 =	vld.idx.msk [tilespmem:v25+s5+$0x0], $0xffff  }
0x146: {  	v32 =	vor.u32 $0x80, v31;
	v5 =	vmul.f32 $1.600000000e+01, v5;
	v23 =	vand.u32 $0xFFFFFF00, v60;
	v60 =	vld [tilespmem:s31+$0x48E0]  }
0x147: {  	v50 =	vmul.f32 $3.200000000e+01, v50;
	v49 =	vadd.f32 v49, v49;
	v2 =	vmul.f32 $6.400000000e+01, v42;
	v42 =	vld.idx.msk [tilespmem:v27+s5+$0x0], $0xffff  }
0x148: {  	v53 =	vand.u32 $0x7F, v34;
	v35 =	vadd.f32 v35, v0;
	v0 =	vmul.f32 $5.120000000e+02, v45;
	v45 =	vld.idx.msk [tilespmem:v24+s5+$0x0], $0xffff  }
0x149: {  	v61 =	vadd.f32 v5, v50;
	v5 =	vmul.f32 $1.600000000e+01, v51;
	v49 =	vadd.f32 v40, v49;
	v40 =	vld.idx.msk [tilespmem:v28+s5+$0x0], $0xffff  }
0x14a: {  	v23 =	vor.u32 v53, v23;
	v34 =	vld.idx.msk [tilespmem:v47+s5+$0x0], $0xffff;
	v35 =	vadd.f32 v35, v37;
	v37 =	vadd.f32 v4, v3  }
0x14b: {  	v6 =	vadd.f32 v63, v61;
	v61 =	vtrunc.f32 v33;
	v33 =	vld.idx.msk [tilespmem:v55+s5+$0x0], $0xffff;
	v4 =	vmul.f32 $3.200000000e+01, v48  }
0x14c: {  	v59 =	vmul.f32 $4.000000000e+00, v58;
	v36 =	vmul.f32 $1.280000000e+02, v36;
	v3 =	vadd.f32 v37, v41;
	v41 =	vld.idx.msk [tilespmem:v29+s5+$0x0], $0xffff  }
0x14d: {  	v38 =	vmul.f32 $2.560000000e+02, v38;
	v63 =	vadd.f32 v5, v4;
	v4 =	vtrunc.f32 v35;
	v35 =	vld.idx.msk [tilespmem:v31+s5+$0x0], $0xffff  }
0x14e: {  	v52 =	vor.u32 $0x80, v30;
	v26 =	vadd.f32 v59, v57;
	v37 =	vld.idx.msk [tilespmem:v32+s5+$0x0], $0xffff  }
0x14f: {  	v36 =	vadd.f32 v2, v36;
	v38 =	vadd.f32 v38, v0;
	v31 =	vld.idx.msk [tilespmem:v23+s5+$0x0], $0xffff  }
0x150: {  	v27 =	vcvt.f32.s32 v61;
	v2 =	vor.u32 $0x80, v23;
	v0 =	vadd.f32 v1, v1;
	v23 =	vld [tilespmem:s31+$0xAF0]  }
0x151: {  	v24 =	vadd.f32 v6, v3;
	v1 =	vadd.f32 v36, v38;
	v38 =	vld.idx.msk [tilespmem:v39+s5+$0x0], $0xffff  }
0x152: {  	v26 =	vadd.f32 v26, v63;
	v3 =	vshll.u32 v27, $0x1;
	v27 =	vand.u32 $0x7F, v27;
	v39 =	vld.idx.msk [tilespmem:v30+s5+$0x0], $0xffff  }
0x153: {  	v36 =	vld.idx.msk [tilespmem:v52+s5+$0x0], $0xffff;
	v5 =	vand.u32 $0xFFFFFF00, v3;
	v30 =	vcvt.f32.s32 v4;
	v24 =	vadd.f32 v24, v49  }
0x154: {  	v25 =	vadd.f32 v60, v0;
	v3 =	vld [tilespmem:s31+$0x8F0];
	v27 =	vor.u32 v27, v5;
	v26 =	vadd.f32 v26, v1  }
0x155: {  	v4 =	vld [tilespmem:s31+$0x970];
	v6 =	vor.u32 $0x80, v27;
	v51 =	vshll.u32 v30, $0x1;
	v24 =	vtrunc.f32 v24  }
0x156: {  	v5 =	vld [tilespmem:s31+$0x9F0];
	v30 =	vand.u32 $0x7F, v30;
	v28 =	vand.u32 $0xFFFFFF00, v51;
	v24 =	vcvt.f32.s32 v24  }
0x157: {  	v25 =	vadd.f32 v26, v25;
	v52 =	vor.u32 v30, v28;
	v30 =	vld.idx.msk [tilespmem:v2+s5+$0x0], $0xffff  }
0x158: {  	v2 =	vld [tilespmem:s31+$0x870];
	v54 =	vor.u32 $0x80, v52;
	v53 =	vshll.u32 v24, $0x1  }
0x159: {  	v26 =	vld [tilespmem:s31+$0x4870];
	v25 =	vtrunc.f32 v25;
	v24 =	vand.u32 $0x7F, v24;
	v28 =	vand.u32 $0xFFFFFF00, v53  }
0x15a: {  	v32 =	vld.idx.msk [tilespmem:v27+s5+$0x0], $0xffff;
	v25 =	vcvt.f32.s32 v25;
	v24 =	vor.u32 v24, v28  }
0x15b: {  	v28 =	vld.idx.msk [tilespmem:v6+s5+$0x0], $0xffff  }
0x15c: {  	v6 =	vld [tilespmem:s31+$0xA70];
	v55 =	vshll.u32 v25, $0x1;
	v56 =	vor.u32 $0x80, v24  }
0x15d: {  	v25 =	vand.u32 $0x7F, v25;
	v29 =	vld.idx.msk [tilespmem:v52+s5+$0x0], $0xffff;
	v57 =	vand.u32 $0xFFFFFF00, v55  }
0x15e: {  	v59 =	vld.idx.msk [tilespmem:v54+s5+$0x0], $0xffff;
	v25 =	vor.u32 v25, v57  }
0x15f: {  	v27 =	vld.idx.msk [tilespmem:v24+s5+$0x0], $0xffff  }
0x160: {  	v58 =	vor.u32 $0x80, v25;
	v24 =	vld [tilespmem:s31+$0xB70]  }
0x161: {  	v60 =	vld.idx.msk [tilespmem:v56+s5+$0x0], $0xffff  }
0x162: {  	v56 =	vld [tilespmem:s31+$0x48F0]  }
0x163: {  	s30 =	sor.u32 $0x3, s30;
	v61 =	vld.idx.msk [tilespmem:v25+s5+$0x0], $0xffff  }
0x164: {  	s0 =	sshll.u32 s30, $0xA;
	v25 =	vld [tilespmem:s31+$0xBF0]  }
0x165: {  	s31 =	sand.u32 $0x3FFFFC00, s0;
	v63 =	vld.idx.msk [tilespmem:v58+s5+$0x0], $0xffff  }
0x166: {  	v57 =	vld [tilespmem:s31+$0x800]  }
0x167: {  	v58 =	vld [tilespmem:s31+$0x880]  }
0x168: {  	[tilespmem:$0x1FFC0] =	vst v59;
	v59 =	vld [tilespmem:s31+$0x900]  }
0x169: {  	v48 =	vmul.f32 $2.560000000e+02, v3;
	v49 =	vmul.f32 $1.280000000e+02, v4;
	v0 =	vld [tilespmem:s31+$0xA80]  }
0x16a: {  	v50 =	vmul.f32 $6.400000000e+01, v5;
	v47 =	vmul.f32 $5.120000000e+02, v2;
	v1 =	vld [tilespmem:s31+$0xB80]  }
0x16b: {  	v52 =	vmul.f32 $1.600000000e+01, v23;
	v51 =	vmul.f32 $3.200000000e+01, v6;
	v2 =	vld [tilespmem:s31+$0x4800]  }
0x16c: {  	v50 =	vadd.f32 v50, v49;
	v3 =	vld [tilespmem:s31+$0x4880]  }
0x16d: {  	v47 =	vadd.f32 v48, v47;
	v5 =	vadd.f32 v52, v51;
	v52 =	vld [tilespmem:s31+$0x810]  }
0x16e: {  	v55 =	vld [tilespmem:s31+$0x890]  }
0x16f: {  	s28 =	sshll.u32 s28, $0x8;
	v42 =	vmul.f32 v42, v62;
	v4 =	vadd.f32 v50, v47;
	v50 =	vld [tilespmem:s31+$0x910]  }
0x170: {  	s28 =	sand.u32 $0x3FFFFF00, s28;
	v48 =	vmul.f32 v13, v62;
	s0 =	sshll.u32 s26, $0x5;
	v51 =	vld [tilespmem:s31+$0x990]  }
0x171: {  	[tilespmem:s28+$0x10850] =	vst v42;
	v23 =	vmul.f32 v21, v62;
	s0 =	sand.u32 $0x3FFFFFE0, s0;
	v42 =	vld [tilespmem:s31+$0xA70]  }
0x172: {  	v13 =	vadd.f32 v26, v26;
	v26 =	vmul.f32 v22, v62;
	[tilespmem:s0+$0x10880] =	vst v48;
	v48 =	vld [tilespmem:s31+$0x850]  }
0x173: {  	v21 =	vmul.f32 v14, v62;
	[tilespmem:s0+$0x10820] =	vst v23;
	v23 =	vld [tilespmem:s31+$0x950]  }
0x174: {  	[tilespmem:s0+$0x108A0] =	vst v26;
	v26 =	vld [tilespmem:s31+$0xA50]  }
0x175: {  	[tilespmem:s0+$0x108B0] =	vst v21;
	v21 =	vld [tilespmem:s31+$0xBD0]  }
0x176: {  	v33 =	vmul.f32 v33, v62;
	[tilespmem:$0x1FFD0] =	vst v60;
	v60 =	vld [tilespmem:s31+$0x980]  }
0x177: {  	v35 =	vmul.f32 v35, v62;
	v49 =	vmul.f32 v12, v62;
	[tilespmem:$0x1FFE0] =	vst v61;
	v61 =	vld [tilespmem:s31+$0xA00]  }
0x178: {  	v53 =	vmul.f32 $8.000000000e+00, v24;
	v54 =	vmul.f32 $4.000000000e+00, v25;
	[tilespmem:$0x1FFF0] =	vst v63;
	v63 =	vld [tilespmem:s31+$0xB00]  }
0x179: {  	v12 =	vmul.f32 $5.120000000e+02, v57;
	v57 =	vld [tilespmem:s31+$0x4810];
	v14 =	vmul.f32 $5.120000000e+02, v52  }
0x17a: {  	v2 =	vadd.f32 v2, v2;
	v52 =	vld [tilespmem:s31+$0x9A0];
	v50 =	vmul.f32 $1.280000000e+02, v50;
	v51 =	vmul.f32 $6.400000000e+01, v51  }
0x17b: {  	v22 =	vmul.f32 v11, v62;
	v24 =	vmul.f32 $1.280000000e+02, v59;
	v6 =	vadd.f32 v54, v53;
	v53 =	vld [tilespmem:s31+$0xA10]  }
0x17c: {  	v54 =	vmul.f32 v19, v62;
	v2 =	vadd.f32 v3, v2;
	v3 =	vld [tilespmem:s31+$0x920];
	v50 =	vadd.f32 v51, v50  }
0x17d: {  	v51 =	vld [tilespmem:s31+$0xBA0];
	v5 =	vadd.f32 v6, v5;
	v6 =	vadd.f32 v56, v13;
	v13 =	vmul.f32 $2.560000000e+02, v58  }
0x17e: {  	v58 =	vld [tilespmem:s31+$0xA90];
	v56 =	vmul.f32 v15, v62;
	v15 =	vmul.f32 v16, v62  }
0x17f: {  	v19 =	vmul.f32 v20, v62;
	v20 =	vadd.f32 v5, v4;
	v4 =	vmul.f32 $3.200000000e+01, v61;
	v61 =	vld [tilespmem:s31+$0x4890]  }
0x180: {  	[tilespmem:s0+$0x108C0] =	vst v15;
	v15 =	vmul.f32 v38, v62;
	v38 =	vmul.f32 v39, v62;
	v39 =	vld [tilespmem:s31+$0x4850]  }
0x181: {  	v1 =	vmul.f32 $4.000000000e+00, v1;
	v25 =	vmul.f32 $6.400000000e+01, v60;
	[tilespmem:s0+$0x10840] =	vst v56;
	v56 =	vld [tilespmem:s31+$0x960]  }
0x182: {  	v5 =	vmul.f32 $1.600000000e+01, v0;
	v63 =	vmul.f32 $8.000000000e+00, v63;
	v59 =	vadd.f32 v20, v6;
	v6 =	vld [tilespmem:s31+$0xB10]  }
0x183: {  	v11 =	vadd.f32 v25, v24;
	v25 =	vmul.f32 v18, v62;
	v47 =	vadd.f32 v13, v12;
	v20 =	vld [tilespmem:s31+$0xB90]  }
0x184: {  	v21 =	vmul.f32 $4.000000000e+00, v21;
	v60 =	vadd.f32 v5, v4;
	v1 =	vadd.f32 v1, v63;
	v63 =	vld [tilespmem:s31+$0x820]  }
0x185: {  	v24 =	vmul.f32 v17, v62;
	[tilespmem:s0+$0x10850] =	vst v25;
	v25 =	vmul.f32 v36, v62;
	v13 =	vadd.f32 v11, v47;
	v47 =	vld [tilespmem:s31+$0x8A0]  }
0x186: {  	v36 =	vmul.f32 v37, v62;
	v5 =	vmul.f32 $1.600000000e+01, v58;
	v58 =	vld [tilespmem:s31+$0xAA0];
	v1 =	vadd.f32 v1, v60  }
0x187: {  	v57 =	vadd.f32 v57, v57;
	v12 =	vtrunc.f32 v59;
	v60 =	vmul.f32 $2.560000000e+02, v55;
	v55 =	vld [tilespmem:s31+$0xA20]  }
0x188: {  	v4 =	vmul.f32 $3.200000000e+01, v53;
	v59 =	vld [tilespmem:s31+$0xB20];
	v16 =	vcvt.f32.s32 v12;
	v1 =	vadd.f32 v1, v13  }
0x189: {  	v17 =	vadd.f32 v60, v14;
	v60 =	vld [tilespmem:s31+$0x8B0];
	v6 =	vmul.f32 $8.000000000e+00, v6;
	v20 =	vmul.f32 $4.000000000e+00, v20  }
0x18a: {  	v11 =	vand.u32 $0x7F, v16;
	v16 =	vshll.u32 v16, $0x1;
	v53 =	vmul.f32 $2.560000000e+02, v47;
	v47 =	vld [tilespmem:s31+$0xA30]  }
0x18b: {  	v1 =	vadd.f32 v1, v2;
	v2 =	vadd.f32 v5, v4;
	v12 =	vand.u32 $0xFFFFFF00, v16;
	v4 =	vld [tilespmem:s31+$0x830]  }
0x18c: {  	v16 =	vmul.f32 v9, v62;
	v9 =	vadd.f32 v61, v57;
	v57 =	vld [tilespmem:s31+$0x930];
	v18 =	vadd.f32 v20, v6  }
0x18d: {  	v37 =	vmul.f32 v34, v62;
	v61 =	vld [tilespmem:s31+$0x9B0];
	v1 =	vtrunc.f32 v1  }
0x18e: {  	v17 =	vadd.f32 v50, v17;
	v20 =	vld [tilespmem:s31+$0x4820];
	v1 =	vcvt.f32.s32 v1;
	v2 =	vadd.f32 v18, v2  }
0x18f: {  	v3 =	vmul.f32 $1.280000000e+02, v3;
	v6 =	vld [tilespmem:s31+$0x48A0];
	v18 =	vmul.f32 v7, v62  }
0x190: {  	v7 =	vmul.f32 $1.600000000e+01, v58;
	v58 =	vld [tilespmem:s31+$0xBB0];
	v13 =	vshll.u32 v1, $0x1;
	v2 =	vadd.f32 v2, v17  }
0x191: {  	v1 =	vand.u32 $0x7F, v1;
	v17 =	vand.u32 $0xFFFFFF00, v13;
	v13 =	vmul.f32 $6.400000000e+01, v52;
	v52 =	vld [tilespmem:$0x1FF70]  }
0x192: {  	v11 =	vor.u32 v11, v12;
	v12 =	vor.u32 v1, v17;
	v17 =	vmul.f32 $3.200000000e+01, v55;
	v55 =	vld [tilespmem:s31+$0xB30]  }
0x193: {  	v51 =	vmul.f32 $4.000000000e+00, v51;
	v14 =	vmul.f32 v10, v62;
	v5 =	vadd.f32 v2, v9;
	v2 =	vld [tilespmem:s31+$0x4830]  }
0x194: {  	v50 =	vmul.f32 v8, v62;
	v1 =	vmul.f32 $5.120000000e+02, v63;
	v9 =	vld [tilespmem:$0x1FF90]  }
0x195: {  	v3 =	vadd.f32 v13, v3;
	v13 =	vmul.f32 $8.000000000e+00, v59;
	v59 =	vadd.f32 v7, v17;
	v17 =	vld [tilespmem:$0x1FF60]  }
0x196: {  	v4 =	vmul.f32 $5.120000000e+02, v4;
	v57 =	vmul.f32 $1.280000000e+02, v57;
	v1 =	vadd.f32 v53, v1;
	v53 =	vld [tilespmem:$0x1FF80]  }
0x197: {  	v63 =	vld [tilespmem:s31+$0xAB0];
	v58 =	vmul.f32 $4.000000000e+00, v58;
	v5 =	vtrunc.f32 v5;
	v0 =	vadd.f32 v51, v13  }
0x198: {  	v7 =	vld [tilespmem:s31+$0x48B0];
	v5 =	vcvt.f32.s32 v5;
	v10 =	vmul.f32 v52, v62;
	v1 =	vadd.f32 v3, v1  }
0x199: {  	v13 =	vld [tilespmem:$0x1FFA0];
	v52 =	vmul.f32 v9, v62;
	v9 =	vmul.f32 v43, v62;
	v43 =	vadd.f32 v20, v20  }
0x19a: {  	v3 =	vld [tilespmem:s31+$0x840];
	v59 =	vadd.f32 v0, v59;
	v0 =	vmul.f32 v46, v62;
	v55 =	vmul.f32 $8.000000000e+00, v55  }
0x19b: {  	v20 =	vld [tilespmem:s31+$0x8C0];
	v2 =	vadd.f32 v2, v2;
	v8 =	vmul.f32 v17, v62;
	v53 =	vmul.f32 v53, v62  }
0x19c: {  	v46 =	vld [tilespmem:s31+$0x9C0];
	v6 =	vadd.f32 v6, v43;
	v43 =	vmul.f32 $2.560000000e+02, v60;
	v1 =	vadd.f32 v59, v1  }
0x19d: {  	[tilespmem:s0+$0x10800] =	vst v49;
	v17 =	vld [tilespmem:$0x1FFB0];
	v59 =	vmul.f32 $6.400000000e+01, v61;
	v49 =	vadd.f32 v58, v55;
	v58 =	vand.u32 $0x7F, v5  }
0x19e: {  	v60 =	vld [tilespmem:s31+$0xA40];
	v5 =	vshll.u32 v5, $0x1;
	v2 =	vadd.f32 v7, v2;
	v51 =	vmul.f32 v13, v62  }
0x19f: {  	v61 =	vld [tilespmem:s31+$0xAC0];
	v13 =	vmul.f32 v44, v62;
	v44 =	vmul.f32 v45, v62;
	v4 =	vadd.f32 v43, v4  }
0x1a0: {  	v7 =	vld [tilespmem:s31+$0x8D0];
	v43 =	vmul.f32 $3.200000000e+01, v47;
	v47 =	vmul.f32 $1.600000000e+01, v63;
	v57 =	vadd.f32 v59, v57  }
0x1a1: {  	v59 =	vld [tilespmem:s31+$0xB40];
	v1 =	vadd.f32 v1, v6;
	v3 =	vmul.f32 $5.120000000e+02, v3;
	[tilespmem:s28+$0x10840] =	vst v44;
	v44 =	vmul.f32 v31, v62  }
0x1a2: {  	v63 =	vld [tilespmem:s31+$0xBC0];
	v47 =	vadd.f32 v47, v43;
	v43 =	vmul.f32 v40, v62;
	v40 =	vmul.f32 v41, v62  }
0x1a3: {  	v55 =	vld [tilespmem:s31+$0x4840];
	v5 =	vand.u32 $0xFFFFFF00, v5;
	v1 =	vtrunc.f32 v1;
	v41 =	vmul.f32 $2.560000000e+02, v20  }
0x1a4: {  	[tilespmem:s0+$0x10890] =	vst v19;
	v45 =	vld [tilespmem:s31+$0x940];
	v4 =	vadd.f32 v57, v4;
	v17 =	vmul.f32 v17, v62;
	v19 =	vcvt.f32.s32 v1  }
0x1a5: {  	[tilespmem:s0+$0x10810] =	vst v54;
	v6 =	vld [tilespmem:s31+$0x48C0];
	v1 =	vor.u32 v58, v5;
	v54 =	vmul.f32 $3.200000000e+01, v60;
	v57 =	vmul.f32 $1.600000000e+01, v61  }
0x1a6: {  	[tilespmem:s28+$0x10820] =	vst v51;
	v51 =	vld [tilespmem:s31+$0x48E0];
	v7 =	vmul.f32 $2.560000000e+02, v7;
	v47 =	vadd.f32 v49, v47;
	v49 =	vmul.f32 $6.400000000e+01, v46  }
0x1a7: {  	v20 =	vld [tilespmem:s31+$0x9D0];
	v3 =	vadd.f32 v41, v3;
	v58 =	vmul.f32 $8.000000000e+00, v59;
	v59 =	vmul.f32 $4.000000000e+00, v63  }
0x1a8: {  	v41 =	vld [tilespmem:s31+$0xAD0];
	v5 =	vadd.f32 v57, v54;
	v60 =	vshll.u32 v19, $0x1;
	v63 =	vadd.f32 v55, v55  }
0x1a9: {  	v46 =	vld [tilespmem:s31+$0xB50];
	v57 =	vmul.f32 $5.120000000e+02, v48;
	v48 =	vadd.f32 v39, v39;
	v4 =	vadd.f32 v47, v4  }
0x1aa: {  	[tilespmem:s0+$0x10830] =	vst v22;
	v54 =	vld [tilespmem:s31+$0x8E0];
	v47 =	vmul.f32 $1.280000000e+02, v45;
	v22 =	vadd.f32 v59, v58;
	v6 =	vadd.f32 v6, v63  }
0x1ab: {  	v39 =	vld [tilespmem:s31+$0x9F0];
	v59 =	vmul.f32 $1.280000000e+02, v23;
	v7 =	vadd.f32 v7, v57;
	v63 =	vmul.f32 $3.200000000e+01, v26  }
0x1ac: {  	[tilespmem:s0+$0x108D0] =	vst v24;
	v45 =	vld [tilespmem:s31+$0xAE0];
	v2 =	vadd.f32 v4, v2;
	v4 =	vadd.f32 v49, v47;
	v47 =	vand.u32 $0x7F, v19  }
0x1ad: {  	[tilespmem:s28+$0x108E0] =	vst v15;
	v58 =	vld [tilespmem:s31+$0x9E0];
	v49 =	vand.u32 $0xFFFFFF00, v60;
	v60 =	vmul.f32 $6.400000000e+01, v20;
	v41 =	vmul.f32 $1.600000000e+01, v41  }
0x1ae: {  	[tilespmem:s28+$0x10880] =	vst v10;
	v19 =	vld [tilespmem:s31+$0x860];
	v5 =	vadd.f32 v22, v5;
	v46 =	vmul.f32 $8.000000000e+00, v46;
	v2 =	vtrunc.f32 v2  }
0x1af: {  	[tilespmem:s28+$0x10810] =	vst v53;
	v3 =	vadd.f32 v4, v3;
	v4 =	vld [tilespmem:s31+$0x48D0];
	v53 =	vmul.f32 $2.560000000e+02, v54;
	v54 =	vmul.f32 $1.280000000e+02, v56  }
0x1b0: {  	[tilespmem:s28+$0x10830] =	vst v9;
	v56 =	vld [tilespmem:s31+$0x870];
	v9 =	vmul.f32 $6.400000000e+01, v39;
	v61 =	vcvt.f32.s32 v2;
	v2 =	vor.u32 v47, v49  }
0x1b1: {  	[tilespmem:s28+$0x10800] =	vst v8;
	v47 =	vld [tilespmem:s31+$0xB60];
	v10 =	vadd.f32 v41, v63;
	v8 =	vadd.f32 v21, v46;
	v41 =	vor.u32 $0x80, v11  }
0x1b2: {  	[tilespmem:s0+$0x108E0] =	vst v50;
	v49 =	vld [tilespmem:s31+$0xBE0];
	v46 =	vmul.f32 v30, v62;
	v5 =	vadd.f32 v5, v3;
	v31 =	vor.u32 $0x80, v2  }
0x1b3: {  	[tilespmem:s28+$0x10890] =	vst v52;
	v11 =	vld.idx.msk [tilespmem:v11+s5+$0x0], $0xffff;
	v50 =	vshll.u32 v61, $0x1;
	v55 =	vand.u32 $0x7F, v61;
	v52 =	vmul.f32 $5.120000000e+02, v19  }
0x1b4: {  	[tilespmem:s0+$0x10860] =	vst v14;
	v63 =	vld [tilespmem:s31+$0x970];
	v8 =	vadd.f32 v8, v10;
	v14 =	vand.u32 $0xFFFFFF00, v50;
	v5 =	vadd.f32 v5, v6  }
0x1b5: {  	[tilespmem:s28+$0x10870] =	vst v38;
	v61 =	vld [tilespmem:s31+$0xA60];
	v6 =	vadd.f32 v60, v59;
	v3 =	vor.u32 v55, v14;
	v4 =	vadd.f32 v4, v48  }
0x1b6: {  	[tilespmem:s28+$0x108A0] =	vst v17;
	v50 =	vld [tilespmem:s31+$0x4860];
	v55 =	vmul.f32 $6.400000000e+01, v58;
	v58 =	vmul.f32 $1.600000000e+01, v45;
	v17 =	vadd.f32 v53, v52  }
0x1b7: {  	[tilespmem:s28+$0x108F0] =	vst v25;
	v52 =	vmul.f32 v29, v62;
	v29 =	vld.idx.msk [tilespmem:v1+s5+$0x0], $0xffff;
	v1 =	vor.u32 $0x80, v1;
	v60 =	vmul.f32 $8.000000000e+00, v47  }
0x1b8: {  	s29 =	sshll.u32 s29, $0x8;
	[tilespmem:s0+$0x10870] =	vst v16;
	v59 =	vld [tilespmem:s31+$0x8F0];
	v6 =	vadd.f32 v6, v7;
	v47 =	vmul.f32 v32, v62;
	v11 =	vmul.f32 v11, v62  }
0x1b9: {  	[tilespmem:s0+$0x108F0] =	vst v18;
	s0 =	sand.u32 $0x3FFFFF00, s29;
	v45 =	vld [tilespmem:s31+$0xAF0];
	v5 =	vtrunc.f32 v5;
	v7 =	vadd.f32 v55, v54;
	v54 =	vmul.f32 $5.120000000e+02, v56  }
0x1ba: {  	[tilespmem:s0+$0x10880] =	vst v36;
	v48 =	vld [tilespmem:s31+$0xB70];
	v36 =	vor.u32 $0x80, v3;
	v56 =	vmul.f32 $1.280000000e+02, v63;
	v5 =	vcvt.f32.s32 v5  }
0x1bb: {  	[tilespmem:s0+$0x10800] =	vst v35;
	v53 =	vld.idx.msk [tilespmem:v41+s5+$0x0], $0xffff;
	v57 =	vmul.f32 $3.200000000e+01, v61;
	v61 =	vmul.f32 $4.000000000e+00, v49;
	v6 =	vadd.f32 v8, v6  }
0x1bc: {  	[tilespmem:s0+$0x10810] =	vst v33;
	v49 =	vor.u32 $0x80, v12;
	v21 =	vadd.f32 v50, v50;
	v7 =	vadd.f32 v7, v17;
	v50 =	vld [tilespmem:s31+$0xBF0]  }
0x1bd: {  	[tilespmem:s0+$0x10890] =	vst v37;
	v2 =	vld.idx.msk [tilespmem:v2+s5+$0x0], $0xffff;
	v55 =	vmul.f32 $2.560000000e+02, v59;
	v10 =	vadd.f32 v58, v57;
	v19 =	vadd.f32 v61, v60  }
0x1be: {  	[tilespmem:s28+$0x108C0] =	vst v0;
	v63 =	vld [tilespmem:s31+$0x48F0];
	v9 =	vadd.f32 v9, v56;
	v32 =	vshll.u32 v5, $0x1;
	v33 =	vand.u32 $0x7F, v5  }
0x1bf: {  	[tilespmem:s28+$0x10860] =	vst v40;
	v40 =	vld.idx.msk [tilespmem:v31+s5+$0x0], $0xffff;
	v58 =	vmul.f32 $3.200000000e+01, v42;
	v17 =	vmul.f32 $1.600000000e+01, v45;
	v10 =	vadd.f32 v19, v10  }
0x1c0: {  	[tilespmem:s28+$0x108B0] =	vst v13;
	v4 =	vadd.f32 v6, v4;
	v57 =	vld [tilespmem:s31+$0x4870];
	v59 =	vmul.f32 $8.000000000e+00, v48;
	v61 =	vmul.f32 v27, v62  }
0x1c1: {  	[tilespmem:s0+$0x10820] =	vst v44;
	v12 =	vld.idx.msk [tilespmem:v12+s5+$0x0], $0xffff;
	v14 =	vadd.f32 v51, v21;
	v7 =	vadd.f32 v10, v7;
	v15 =	vmul.f32 $4.000000000e+00, v50  }
0x1c2: {  	[tilespmem:s28+$0x108D0] =	vst v43;
	v60 =	vld [tilespmem:$0x1FFC0];
	v35 =	vmul.f32 v29, v62;
	v13 =	vadd.f32 v55, v54;
	v17 =	vadd.f32 v17, v58  }
0x1c3: {  	[tilespmem:s0+$0x108A0] =	vst v46;
	v27 =	vld [tilespmem:$0x1FFE0];
	v51 =	vmul.f32 v28, v62;
	v7 =	vadd.f32 v7, v14;
	v14 =	vadd.f32 v15, v59  }
0x1c4: {  	[tilespmem:s0+$0x10840] =	vst v52;
	v6 =	vmul.f32 v53, v62;
	v2 =	vmul.f32 v2, v62;
	v9 =	vadd.f32 v9, v13  }
0x1c5: {  	[tilespmem:s0+$0x10830] =	vst v47;
	v4 =	vtrunc.f32 v4;
	v16 =	vadd.f32 v57, v57;
	v14 =	vadd.f32 v14, v17  }
0x1c6: {  	s29 =	sshll.u32 s30, $0x8;
	[tilespmem:s0+$0x10870] =	vst v11;
	v34 =	vand.u32 $0xFFFFFF00, v32;
	v28 =	vld [tilespmem:$0x1FFF0];
	v48 =	vmul.f32 v40, v62;
	v4 =	vcvt.f32.s32 v4  }
0x1c7: {  	s30 =	sand.u32 $0x3FFFFF00, s29;
	[tilespmem:s0+$0x10850] =	vst v61;
	v12 =	vmul.f32 v12, v62;
	v30 =	vadd.f32 v63, v16;
	v9 =	vadd.f32 v14, v9  }
0x1c8: {  	v1 =	vld.idx.msk [tilespmem:v1+s5+$0x0], $0xffff;
	[tilespmem:s30+$0x10810] =	vst v35;
	v0 =	vmul.f32 v60, v62;
	v20 =	vmul.f32 v27, v62;
	v38 =	vshll.u32 v4, $0x1  }
0x1c9: {  	[tilespmem:s0+$0x108B0] =	vst v51;
	v4 =	vand.u32 $0x7F, v4;
	v7 =	vtrunc.f32 v7;
	v9 =	vadd.f32 v9, v30  }
0x1ca: {  	v39 =	vand.u32 $0xFFFFFF00, v38;
	[tilespmem:s0+$0x108C0] =	vst v0;
	v0 =	vor.u32 v33, v34;
	v7 =	vcvt.f32.s32 v7  }
0x1cb: {  	v3 =	vld.idx.msk [tilespmem:v3+s5+$0x0], $0xffff;
	[tilespmem:s0+$0x108F0] =	vst v6;
	v13 =	vmul.f32 v28, v62;
	v4 =	vor.u32 v4, v39;
	v9 =	vtrunc.f32 v9  }
0x1cc: {  	v25 =	vld [tilespmem:$0x1FFD0];
	[tilespmem:s30+$0x10820] =	vst v2;
	v37 =	vor.u32 $0x80, v0;
	v41 =	vshll.u32 v7, $0x1;
	v9 =	vcvt.f32.s32 v9  }
0x1cd: {  	v43 =	vld.idx.msk [tilespmem:v36+s5+$0x0], $0xffff;
	[tilespmem:s0+$0x108E0] =	vst v13;
	v42 =	vor.u32 $0x80, v4;
	v7 =	vand.u32 $0x7F, v7;
	v13 =	vand.u32 $0xFFFFFF00, v41  }
0x1ce: {  	v8 =	vld.idx.msk [tilespmem:v49+s5+$0x0], $0xffff;
	[tilespmem:s30+$0x108A0] =	vst v48;
	v1 =	vmul.f32 v1, v62;
	v7 =	vor.u32 v7, v13;
	v44 =	vshll.u32 v9, $0x1  }
0x1cf: {  	[tilespmem:s30+$0x10800] =	vst v12;
	v0 =	vld.idx.msk [tilespmem:v0+s5+$0x0], $0xffff;
	v45 =	vor.u32 $0x80, v7;
	v9 =	vand.u32 $0x7F, v9;
	v13 =	vand.u32 $0xFFFFFF00, v44  }
0x1d0: {  	v50 =	vmul.f32 v3, v62;
	[tilespmem:s0+$0x10860] =	vst v20;
	v4 =	vld.idx.msk [tilespmem:v4+s5+$0x0], $0xffff;
	v46 =	vor.u32 v9, v13  }
0x1d1: {  	v15 =	vmul.f32 v25, v62;
	[tilespmem:s30+$0x10890] =	vst v1;
	v47 =	vld.idx.msk [tilespmem:v37+s5+$0x0], $0xffff;
	v49 =	vor.u32 $0x80, v46  }
0x1d2: {  	v52 =	vmul.f32 v43, v62;
	[tilespmem:s30+$0x10830] =	vst v50;
	v51 =	vld.idx.msk [tilespmem:v42+s5+$0x0], $0xffff  }
0x1d3: {  	v8 =	vmul.f32 v8, v62;
	[tilespmem:s0+$0x108D0] =	vst v15;
	v53 =	vld.idx.msk [tilespmem:v7+s5+$0x0], $0xffff  }
0x1d4: {  	[tilespmem:s30+$0x108B0] =	vst v52;
	v0 =	vmul.f32 v0, v62;
	v54 =	vld.idx.msk [tilespmem:v45+s5+$0x0], $0xffff  }
0x1d5: {  	[tilespmem:s30+$0x10880] =	vst v8;
	v56 =	vmul.f32 v4, v62;
	v5 =	vld.idx.msk [tilespmem:v46+s5+$0x0], $0xffff  }
0x1d6: {  	v55 =	vmul.f32 v47, v62;
	[tilespmem:s30+$0x10840] =	vst v0;
	v57 =	vld.idx.msk [tilespmem:v49+s5+$0x0], $0xffff  }
0x1d7: {  	v58 =	vmul.f32 v51, v62;
	[tilespmem:s30+$0x10850] =	vst v56  }
0x1d8: {  	p1 =	slt.u32 s26, $0x60;
	[tilespmem:s30+$0x108C0] =	vst v55;
	v59 =	vmul.f32 v53, v62  }
.Ltmp1:
0x1d9: {  	[tilespmem:s30+$0x108D0] =	vst v58;
	v60 =	vmul.f32 v54, v62;
	(pc) =	sbr.rel @p1 .LBB2_5-.Ltmp1, $4  }
0x1da: {  	[tilespmem:s30+$0x10860] =	vst v59;
	v61 =	vmul.f32 v5, v62  }
0x1db: {  	[tilespmem:s30+$0x108E0] =	vst v60;
	v63 =	vmul.f32 v57, v62  }
0x1dc: {  	s31 =	sadd.s32 $0x20, s26;
	[tilespmem:s30+$0x10870] =	vst v61  }
0x1dd: {  	s26 =	smov.u32 s31;
	[tilespmem:s30+$0x108F0] =	vst v63  }
0x1de: {  	p1 =	sne.s32 s23, $0x7  }
.Ltmp2:
0x1df: {  	s0 =	sshll.u32 s23, $0xD;
	(pc) =	sbr.rel @p1 .LBB2_8-.Ltmp2, $4  }
0x1e0: {  	s0 =	sadd.s32 s7, s0  }
0x1e1: {  	s0 =	sshrl.u32 s0, $0x3  }
0x1e2: {  	s0 =	sadd.s32 s3, s0  }
0x1e3: {  	[hbm4b:s0+s5] =	stream.linear.scatter [tilespmem:s17], [sflag:$0x3], $0x1000, $0x38;
	[tilespmem:$0x12800] =	vst v63  }
.Ltmp3:
0x1e4: {  	(pc) =	sbr.rel .LBB2_9-.Ltmp3, $4  }
0x1e5: {  	_ = 	snop  }
0x1e6: {  	_ =	swait.ge [sflag:s18], $0x8000  }
0x1e7: {  	[sflag:s18] =	ssyncset.done $0x0  }
0x1e8: {  	[sflag:s18] =	ssyncadd.s32 $0xFFFF8000  }
.LBB2_8:
.Ltmp4:
0x1e9: {  	s0 =	sadd.s32 s25, s8;
	(pc) =	sbr.rel @p0 .LBB2_10-.Ltmp4, $4  }
0x1ea: {  	[tilespmem:s14], [sflag:$0x1] =	stream.strided.gather [hbm4b:s0+s12], $0x8000, s13, s12, $0x38;
	[tilespmem:$0x12800] =	vst v63  }
0x1eb: {  	_ =	swait.ge [sflag:s18], $0x8000  }
0x1ec: {  	[sflag:s18] =	ssyncset.done $0x0  }
0x1ed: {  	[sflag:s18] =	ssyncadd.s32 $0xFFFF8000  }
.LBB2_9:
0x1ee: {  	_ =	swait.ge [sflag:s19], $0x1000  }
0x1ef: {  	[sflag:s19] =	ssyncset.done $0x0  }
0x1f0: {  	[sflag:s19] =	ssyncadd.s32 $0xFFFFF000  }
.LBB2_10:
0x1f1: {  	s23 =	sadd.s32 $0x1, s23;
	s25 =	simm.s32 $0x0  }
.LBB2_11:
0x1f2: {  	s0 =	sshll.u32 s25, $0x7  }
0x1f3: {  	s28 =	sand.u32 $0x3FFFFF80, s0  }
0x1f4: {  	v0 =	vld [tilespmem:s28+$0x8800]  }
0x1f5: {  	v1 =	vld [tilespmem:s28+$0x8880]  }
0x1f6: {  	v2 =	vld [tilespmem:s28+$0x8900]  }
0x1f7: {  	v3 =	vld [tilespmem:s28+$0x8980]  }
0x1f8: {  	v4 =	vld [tilespmem:s28+$0x8A00]  }
0x1f9: {  	v5 =	vld [tilespmem:s28+$0x8A80]  }
0x1fa: {  	v6 =	vld [tilespmem:s28+$0x8B00]  }
0x1fb: {  	v7 =	vld [tilespmem:s28+$0x8B80]  }
0x1fc: {  	v8 =	vld [tilespmem:s28+$0xC800]  }
0x1fd: {  	v9 =	vld [tilespmem:s28+$0xC880]  }
0x1fe: {  	v10 =	vld [tilespmem:s28+$0x8810]  }
0x1ff: {  	v11 =	vld [tilespmem:s28+$0x8890]  }
0x200: {  	v12 =	vld [tilespmem:s28+$0x8910]  }
0x201: {  	v13 =	vld [tilespmem:s28+$0x8990]  }
0x202: {  	v14 =	vld [tilespmem:s28+$0x8A10]  }
0x203: {  	v15 =	vld [tilespmem:s28+$0x8A90]  }
0x204: {  	v16 =	vld [tilespmem:s28+$0x8B10]  }
0x205: {  	v17 =	vld [tilespmem:s28+$0x8B90]  }
0x206: {  	v18 =	vld [tilespmem:s28+$0xC810]  }
0x207: {  	v19 =	vld [tilespmem:s28+$0xC890]  }
0x208: {  	v20 =	vld [tilespmem:s28+$0x8820]  }
0x209: {  	v21 =	vld [tilespmem:s28+$0x88A0]  }
0x20a: {  	v22 =	vld [tilespmem:s28+$0x8920]  }
0x20b: {  	v23 =	vld [tilespmem:s28+$0x89A0]  }
0x20c: {  	v24 =	vld [tilespmem:s28+$0x8A20]  }
0x20d: {  	v25 =	vld [tilespmem:s28+$0x8AA0]  }
0x20e: {  	v26 =	vld [tilespmem:s28+$0x8B20]  }
0x20f: {  	v27 =	vld [tilespmem:s28+$0x8BA0]  }
0x210: {  	v28 =	vld [tilespmem:s28+$0xC820]  }
0x211: {  	v29 =	vld [tilespmem:s28+$0xC8A0]  }
0x212: {  	v30 =	vld [tilespmem:s28+$0x8830]  }
0x213: {  	v31 =	vld [tilespmem:s28+$0x88B0]  }
0x214: {  	v32 =	vld [tilespmem:s28+$0x8930]  }
0x215: {  	v33 =	vld [tilespmem:s28+$0x89B0]  }
0x216: {  	v34 =	vld [tilespmem:s28+$0x8A30]  }
0x217: {  	v47 =	vadd.f32 v8, v8;
	v8 =	vld [tilespmem:s28+$0xC830]  }
0x218: {  	v51 =	vmul.f32 $2.560000000e+02, v11;
	v11 =	vld [tilespmem:s28+$0x8840]  }
0x219: {  	v54 =	vmul.f32 $3.200000000e+01, v14;
	v14 =	vld [tilespmem:s28+$0x88C0]  }
0x21a: {  	v56 =	vmul.f32 $8.000000000e+00, v16;
	v16 =	vld [tilespmem:s28+$0x8940]  }
0x21b: {  	v52 =	vmul.f32 $1.280000000e+02, v12;
	v12 =	vld [tilespmem:s28+$0x8A40]  }
0x21c: {  	v55 =	vmul.f32 $1.600000000e+01, v15;
	v15 =	vld [tilespmem:s28+$0x8AC0]  }
0x21d: {  	v50 =	vmul.f32 $5.120000000e+02, v10;
	v10 =	vld [tilespmem:s28+$0x8B40]  }
0x21e: {  	v57 =	vmul.f32 $4.000000000e+00, v17;
	v17 =	vld [tilespmem:s28+$0x8BC0]  }
0x21f: {  	v35 =	vmul.f32 $1.280000000e+02, v22;
	v22 =	vld [tilespmem:s28+$0xC8C0]  }
0x220: {  	v38 =	vmul.f32 $1.600000000e+01, v25;
	v25 =	vld [tilespmem:s28+$0x8850]  }
0x221: {  	v39 =	vmul.f32 $8.000000000e+00, v26;
	v26 =	vld [tilespmem:s28+$0x88D0]  }
0x222: {  	v2 =	vmul.f32 $1.280000000e+02, v2;
	v63 =	vmul.f32 $2.560000000e+02, v21;
	v21 =	vld [tilespmem:s28+$0x8950]  }
0x223: {  	v3 =	vmul.f32 $6.400000000e+01, v3;
	v37 =	vmul.f32 $3.200000000e+01, v24;
	v24 =	vld [tilespmem:s28+$0x89D0]  }
0x224: {  	v4 =	vmul.f32 $3.200000000e+01, v4;
	v40 =	vmul.f32 $4.000000000e+00, v27;
	v27 =	vld [tilespmem:s28+$0x8A50]  }
0x225: {  	v5 =	vmul.f32 $1.600000000e+01, v5;
	v43 =	vmul.f32 $5.120000000e+02, v30;
	v30 =	vld [tilespmem:s28+$0x8B50]  }
0x226: {  	v6 =	vmul.f32 $8.000000000e+00, v6;
	v7 =	vmul.f32 $4.000000000e+00, v7;
	v44 =	vadd.f32 v3, v2;
	v3 =	vld [tilespmem:s28+$0x8AB0]  }
0x227: {  	v45 =	vadd.f32 v5, v4;
	v5 =	vld [tilespmem:s28+$0x8B30]  }
0x228: {  	v46 =	vadd.f32 v7, v6;
	v7 =	vld [tilespmem:s28+$0x8BB0]  }
0x229: {  	v59 =	vadd.f32 v18, v18;
	v49 =	vadd.f32 v9, v47;
	v9 =	vld [tilespmem:s28+$0xC8B0]  }
0x22a: {  	v0 =	vmul.f32 $5.120000000e+02, v0;
	v36 =	vmul.f32 $6.400000000e+01, v23;
	v6 =	vld [tilespmem:s28+$0x89C0]  }
0x22b: {  	v1 =	vmul.f32 $2.560000000e+02, v1;
	v53 =	vmul.f32 $6.400000000e+01, v13;
	v13 =	vadd.f32 v19, v59;
	v19 =	vld [tilespmem:s28+$0xC840]  }
0x22c: {  	v61 =	vmul.f32 $5.120000000e+02, v20;
	v41 =	vadd.f32 v28, v28;
	v20 =	vadd.f32 v36, v35;
	v35 =	vld [tilespmem:s28+$0xC850]  }
0x22d: {  	v0 =	vadd.f32 v1, v0;
	v1 =	vadd.f32 v53, v52;
	v53 =	vld [tilespmem:s28+$0x8860]  }
0x22e: {  	v4 =	vadd.f32 v51, v50;
	v58 =	vadd.f32 v55, v54;
	v55 =	vld [tilespmem:s28+$0x88E0]  }
0x22f: {  	v2 =	vadd.f32 v57, v56;
	v18 =	vadd.f32 v63, v61;
	v56 =	vld [tilespmem:s28+$0x8960]  }
0x230: {  	v23 =	vadd.f32 v38, v37;
	v47 =	vmul.f32 $3.200000000e+01, v34;
	v63 =	vld [tilespmem:s28+$0x8B60];
	v0 =	vadd.f32 v44, v0  }
0x231: {  	v37 =	vld [tilespmem:s28+$0x8BE0];
	v48 =	vadd.f32 v46, v45;
	v1 =	vadd.f32 v1, v4;
	v44 =	vmul.f32 $2.560000000e+02, v31  }
0x232: {  	v18 =	vadd.f32 v20, v18;
	v20 =	vld [tilespmem:s28+$0x8AD0];
	v45 =	vmul.f32 $1.280000000e+02, v32;
	v57 =	vmul.f32 $5.120000000e+02, v11  }
0x233: {  	v2 =	vadd.f32 v2, v58;
	v32 =	vld [tilespmem:s28+$0x8BD0];
	v58 =	vmul.f32 $2.560000000e+02, v14;
	v59 =	vmul.f32 $1.280000000e+02, v16  }
0x234: {  	v4 =	vadd.f32 v29, v41;
	v14 =	vld [tilespmem:s28+$0x8A60];
	v12 =	vmul.f32 $3.200000000e+01, v12;
	v15 =	vmul.f32 $1.600000000e+01, v15  }
0x235: {  	v8 =	vadd.f32 v8, v8;
	v34 =	vmul.f32 $8.000000000e+00, v10;
	v36 =	vmul.f32 $4.000000000e+00, v17;
	v11 =	vld [tilespmem:s28+$0xC860]  }
0x236: {  	s29 =	sshrl.u32 s25, $0x3;
	v41 =	vmul.f32 $5.120000000e+02, v25;
	v25 =	vld [tilespmem:s28+$0xC870];
	v0 =	vadd.f32 v48, v0;
	v1 =	vadd.f32 v2, v1  }
0x237: {  	s26 =	sor.u32 $0x1, s29;
	v52 =	vadd.f32 v44, v43;
	v43 =	vmul.f32 $1.280000000e+02, v21;
	v44 =	vmul.f32 $6.400000000e+01, v24;
	v24 =	vld [tilespmem:s28+$0x89F0]  }
0x238: {  	s30 =	sshll.u32 s26, $0xA;
	v48 =	vmul.f32 $1.600000000e+01, v3;
	v50 =	vmul.f32 $4.000000000e+00, v7;
	v7 =	vld [tilespmem:s28+$0xC8D0];
	v8 =	vadd.f32 v9, v8  }
0x239: {  	s30 =	sand.u32 $0x3FFFFC00, s30;
	v6 =	vmul.f32 $6.400000000e+01, v6;
	v9 =	vadd.f32 v58, v57;
	v12 =	vadd.f32 v15, v12;
	v15 =	vld [tilespmem:s28+$0x8870]  }
0x23a: {  	v57 =	vld [tilespmem:s30+$0x8880];
	v17 =	vmul.f32 $4.000000000e+00, v37;
	v0 =	vadd.f32 v0, v49;
	v13 =	vadd.f32 v1, v13  }
0x23b: {  	v37 =	vld [tilespmem:s30+$0x8A80];
	v49 =	vmul.f32 $8.000000000e+00, v5;
	v54 =	vadd.f32 v48, v47;
	v47 =	vmul.f32 $8.000000000e+00, v30  }
0x23c: {  	v6 =	vadd.f32 v6, v59;
	v48 =	vmul.f32 $4.000000000e+00, v32;
	v30 =	vld [tilespmem:s28+$0x8AF0];
	v0 =	vtrunc.f32 v0  }
0x23d: {  	v10 =	vadd.f32 v36, v34;
	v59 =	vld [tilespmem:s30+$0x8900];
	v13 =	vtrunc.f32 v13;
	v0 =	vcvt.f32.s32 v0  }
0x23e: {  	v32 =	vld [tilespmem:s30+$0xC8A0];
	v5 =	vadd.f32 v50, v49;
	v13 =	vcvt.f32.s32 v13;
	v6 =	vadd.f32 v6, v9  }
0x23f: {  	v9 =	vadd.f32 v44, v43;
	v43 =	vld [tilespmem:s30+$0xC800];
	v60 =	vand.u32 $0x7F, v0;
	v0 =	vshll.u32 v0, $0x1  }
0x240: {  	v5 =	vadd.f32 v5, v54;
	v54 =	vmul.f32 $2.560000000e+02, v55;
	v55 =	vld [tilespmem:s30+$0x8800];
	v0 =	vand.u32 $0xFFFFFF00, v0  }
0x241: {  	v42 =	vand.u32 $0x7F, v13;
	v1 =	vor.u32 v60, v0;
	v60 =	vld [tilespmem:s28+$0x8AE0]  }
0x242: {  	v13 =	vshll.u32 v13, $0x1;
	v0 =	vadd.f32 v40, v39;
	v40 =	vadd.f32 v10, v12;
	v10 =	vld [tilespmem:s28+$0x88F0]  }
0x243: {  	v51 =	vand.u32 $0xFFFFFF00, v13;
	v39 =	vadd.f32 v19, v19;
	v19 =	vld [tilespmem:s28+$0x8B70]  }
0x244: {  	v3 =	vor.u32 v42, v51;
	v42 =	vmul.f32 $2.560000000e+02, v26;
	v26 =	vld [tilespmem:s28+$0x8BF0]  }
0x245: {  	v46 =	vmul.f32 $6.400000000e+01, v33;
	v51 =	vadd.f32 v35, v35;
	v6 =	vadd.f32 v40, v6;
	v40 =	vld [tilespmem:s30+$0x8B00]  }
0x246: {  	v0 =	vadd.f32 v0, v23;
	v12 =	vadd.f32 v42, v41;
	v42 =	vld [tilespmem:s30+$0x8B80];
	v23 =	vmul.f32 $5.120000000e+02, v55  }
0x247: {  	v55 =	vmul.f32 $2.560000000e+02, v57;
	v57 =	vmul.f32 $1.280000000e+02, v59;
	v59 =	vld [tilespmem:s30+$0x8A90]  }
0x248: {  	v53 =	vmul.f32 $5.120000000e+02, v53;
	v7 =	vadd.f32 v7, v51;
	v51 =	vmul.f32 $1.600000000e+01, v30;
	v30 =	vld [tilespmem:s30+$0x8870]  }
0x249: {  	v0 =	vadd.f32 v0, v18;
	v18 =	vadd.f32 v46, v45;
	v46 =	vmul.f32 $3.200000000e+01, v27;
	v27 =	vld [tilespmem:s28+$0x8A70]  }
0x24a: {  	v56 =	vmul.f32 $1.280000000e+02, v56;
	v20 =	vmul.f32 $1.600000000e+01, v20;
	v23 =	vadd.f32 v55, v23;
	v55 =	vld [tilespmem:s30+$0x8BA0]  }
0x24b: {  	v25 =	vadd.f32 v25, v25;
	v16 =	vmul.f32 $1.600000000e+01, v60;
	v60 =	vmul.f32 $8.000000000e+00, v63;
	v63 =	vld [tilespmem:s30+$0x8A00]  }
0x24c: {  	v14 =	vmul.f32 $3.200000000e+01, v14;
	v49 =	vadd.f32 v48, v47;
	v13 =	vadd.f32 v18, v52;
	v18 =	vld [tilespmem:s28+$0x89E0]  }
0x24d: {  	v48 =	vmul.f32 $6.400000000e+01, v24;
	v9 =	vadd.f32 v9, v12;
	v20 =	vadd.f32 v20, v46;
	v46 =	vld [tilespmem:s30+$0x8810]  }
0x24e: {  	v2 =	vor.u32 $0x80, v1;
	v0 =	vadd.f32 v0, v4;
	v36 =	vadd.f32 v17, v60;
	v60 =	vld [tilespmem:s30+$0x8B10]  }
0x24f: {  	v10 =	vmul.f32 $2.560000000e+02, v10;
	v14 =	vadd.f32 v16, v14;
	v17 =	vmul.f32 $1.600000000e+01, v37;
	v37 =	vld [tilespmem:s30+$0xC810]  }
0x250: {  	v0 =	vtrunc.f32 v0;
	v5 =	vadd.f32 v5, v13;
	v13 =	vld [tilespmem:s28+$0xC8E0];
	v52 =	vadd.f32 v49, v20  }
0x251: {  	v19 =	vmul.f32 $8.000000000e+00, v19;
	v20 =	vld [tilespmem:s28+$0xC8F0];
	v0 =	vcvt.f32.s32 v0;
	v41 =	vadd.f32 v36, v14  }
0x252: {  	v4 =	vor.u32 $0x80, v3;
	v49 =	vld [tilespmem:s30+$0x8890];
	v8 =	vadd.f32 v5, v8;
	v9 =	vadd.f32 v52, v9  }
0x253: {  	v36 =	vld [tilespmem:s30+$0x8B90];
	v61 =	vand.u32 $0x7F, v0;
	v0 =	vshll.u32 v0, $0x1;
	v18 =	vmul.f32 $6.400000000e+01, v18  }
0x254: {  	v52 =	vld [tilespmem:s30+$0x8910];
	v0 =	vand.u32 $0xFFFFFF00, v0;
	v38 =	vtrunc.f32 v8;
	v8 =	vadd.f32 v22, v39  }
0x255: {  	v22 =	vld [tilespmem:s28+$0x8970];
	v9 =	vadd.f32 v9, v7;
	v39 =	vadd.f32 v11, v11;
	v5 =	vor.u32 v61, v0  }
0x256: {  	v0 =	vcvt.f32.s32 v38;
	v61 =	vld [tilespmem:s30+$0x8980];
	v12 =	vadd.f32 v18, v56;
	v18 =	vmul.f32 $3.200000000e+01, v63  }
0x257: {  	v56 =	vld [tilespmem:s30+$0x8A10];
	v63 =	vmul.f32 $4.000000000e+00, v42;
	v20 =	vadd.f32 v20, v25;
	v8 =	vadd.f32 v6, v8  }
0x258: {  	v42 =	vld [tilespmem:s30+$0x88A0];
	v38 =	vtrunc.f32 v9;
	v16 =	vor.u32 $0x80, v5;
	v9 =	vadd.f32 v13, v39  }
0x259: {  	v39 =	vadd.f32 v43, v43;
	v43 =	vld [tilespmem:s30+$0x8920];
	v14 =	vmul.f32 $4.000000000e+00, v36;
	v45 =	vand.u32 $0x7F, v0  }
0x25a: {  	v0 =	vshll.u32 v0, $0x1;
	v50 =	vtrunc.f32 v8;
	v8 =	vadd.f32 v54, v53;
	v54 =	vld [tilespmem:s30+$0x8990]  }
0x25b: {  	v17 =	vadd.f32 v17, v18;
	v0 =	vand.u32 $0xFFFFFF00, v0;
	v53 =	vmul.f32 $4.000000000e+00, v26;
	v26 =	vld [tilespmem:s30+$0x8A30]  }
0x25c: {  	v6 =	vor.u32 v45, v0;
	v0 =	vcvt.f32.s32 v50;
	v50 =	vmul.f32 $3.200000000e+01, v27;
	v27 =	vld [tilespmem:s30+$0x8AB0]  }
0x25d: {  	v45 =	vmul.f32 $5.120000000e+02, v15;
	v47 =	vmul.f32 $1.280000000e+02, v22;
	v8 =	vadd.f32 v12, v8;
	v12 =	vld [tilespmem:s30+$0xC880]  }
0x25e: {  	v15 =	vmul.f32 $5.120000000e+02, v46;
	v46 =	vmul.f32 $2.560000000e+02, v49;
	v19 =	vadd.f32 v53, v19;
	v53 =	vld [tilespmem:s30+$0x8B20]  }
0x25f: {  	v21 =	vld.idx.msk [tilespmem:v5+s5+$0x0], $0xffff;
	v58 =	vand.u32 $0x7F, v0;
	v0 =	vshll.u32 v0, $0x1;
	v10 =	vadd.f32 v10, v45  }
0x260: {  	v13 =	vadd.f32 v51, v50;
	v45 =	vld [tilespmem:s30+$0x89A0];
	v15 =	vadd.f32 v46, v15;
	v51 =	vmul.f32 $3.200000000e+01, v56  }
0x261: {  	v50 =	vld [tilespmem:s30+$0x8AA0];
	v56 =	vadd.f32 v37, v37;
	v0 =	vand.u32 $0xFFFFFF00, v0;
	v8 =	vadd.f32 v41, v8  }
0x262: {  	v7 =	vor.u32 v58, v0;
	v0 =	vcvt.f32.s32 v38;
	v58 =	vmul.f32 $6.400000000e+01, v61;
	v38 =	vld [tilespmem:s30+$0xC890]  }
0x263: {  	v61 =	vmul.f32 $8.000000000e+00, v40;
	v40 =	vld [tilespmem:s30+$0x8820];
	v8 =	vadd.f32 v8, v9;
	v9 =	vadd.f32 v48, v47  }
0x264: {  	v49 =	vmul.f32 $6.400000000e+01, v54;
	v47 =	vld [tilespmem:s30+$0x8A20];
	v48 =	vmul.f32 $1.280000000e+02, v52;
	v22 =	vadd.f32 v58, v57  }
0x265: {  	v13 =	vadd.f32 v19, v13;
	v33 =	vor.u32 $0x80, v7;
	v57 =	vld [tilespmem:s30+$0xC820];
	v9 =	vadd.f32 v9, v10  }
0x266: {  	v54 =	vmul.f32 $8.000000000e+00, v60;
	v24 =	vadd.f32 v49, v48;
	v41 =	vadd.f32 v22, v23;
	v22 =	vld.idx.msk [tilespmem:v16+s5+$0x0], $0xffff  }
0x267: {  	v58 =	vmul.f32 $1.280000000e+02, v43;
	v18 =	vmul.f32 $6.400000000e+01, v45;
	v9 =	vadd.f32 v13, v9;
	v13 =	vld.idx.msk [tilespmem:v2+s5+$0x0], $0xffff  }
0x268: {  	v52 =	vmul.f32 $1.600000000e+01, v59;
	v10 =	vadd.f32 v63, v61;
	v59 =	vadd.f32 v24, v15;
	v15 =	vld.idx.msk [tilespmem:v7+s5+$0x0], $0xffff  }
0x269: {  	v44 =	vand.u32 $0x7F, v0;
	v0 =	vshll.u32 v0, $0x1;
	v18 =	vadd.f32 v18, v58;
	v58 =	vld [tilespmem:s30+$0x8930]  }
0x26a: {  	v10 =	vadd.f32 v10, v17;
	v19 =	vmul.f32 $5.120000000e+02, v40;
	v17 =	vmul.f32 $2.560000000e+02, v42;
	v16 =	vld.idx.msk [tilespmem:v33+s5+$0x0], $0xffff  }
0x26b: {  	v0 =	vand.u32 $0xFFFFFF00, v0;
	v8 =	vtrunc.f32 v8;
	v61 =	vmul.f32 $1.600000000e+01, v50;
	v33 =	vld [tilespmem:s30+$0x8970]  }
0x26c: {  	v8 =	vcvt.f32.s32 v8;
	v60 =	vmul.f32 $3.200000000e+01, v47;
	v17 =	vadd.f32 v17, v19;
	v19 =	vld.idx.msk [tilespmem:v3+s5+$0x0], $0xffff  }
0x26d: {  	v12 =	vadd.f32 v12, v39;
	v0 =	vor.u32 v44, v0;
	v36 =	vadd.f32 v57, v57;
	v57 =	vld [tilespmem:s30+$0x88B0]  }
0x26e: {  	v44 =	vand.u32 $0x7F, v8;
	v8 =	vshll.u32 v8, $0x1;
	v35 =	vadd.f32 v61, v60;
	v60 =	vld [tilespmem:s30+$0x8B30]  }
0x26f: {  	v14 =	vadd.f32 v14, v54;
	v10 =	vadd.f32 v10, v41;
	v8 =	vand.u32 $0xFFFFFF00, v8;
	v61 =	vld [tilespmem:s30+$0x8BB0]  }
0x270: {  	v9 =	vadd.f32 v9, v20;
	v20 =	vadd.f32 v52, v51;
	v37 =	vor.u32 v44, v8;
	v8 =	vld [tilespmem:s30+$0x88C0]  }
0x271: {  	v10 =	vadd.f32 v10, v12;
	v12 =	vld.idx.msk [tilespmem:v1+s5+$0x0], $0xffff  }
0x272: {  	v63 =	vadd.f32 v14, v20;
	v20 =	vld.idx.msk [tilespmem:v4+s5+$0x0], $0xffff  }
0x273: {  	v23 =	vor.u32 $0x80, v0;
	v11 =	vadd.f32 v38, v56;
	v38 =	vadd.f32 v18, v17;
	v18 =	vld.idx.msk [tilespmem:v0+s5+$0x0], $0xffff  }
0x274: {  	v4 =	vld [tilespmem:s30+$0xC8B0]  }
0x275: {  	v31 =	vmul.f32 $4.000000000e+00, v55;
	v28 =	vmul.f32 $8.000000000e+00, v53;
	v2 =	vadd.f32 v32, v36;
	v32 =	vld [tilespmem:s30+$0x8840]  }
0x276: {  	v29 =	vor.u32 $0x80, v6;
	v36 =	vld [tilespmem:s30+$0x8A40]  }
0x277: {  	v14 =	vadd.f32 v31, v28;
	v31 =	vld [tilespmem:s30+$0x88F0]  }
0x278: {  	v34 =	vtrunc.f32 v9;
	v17 =	vld.idx.msk [tilespmem:v23+s5+$0x0], $0xffff  }
0x279: {  	v3 =	vcvt.f32.s32 v34;
	v34 =	vld [tilespmem:s30+$0x8940]  }
0x27a: {  	v24 =	vmul.f32 $1.280000000e+02, v58;
	v58 =	vld [tilespmem:s30+$0x8B60]  }
0x27b: {  	v39 =	vadd.f32 v14, v35;
	v14 =	vld.idx.msk [tilespmem:v29+s5+$0x0], $0xffff  }
0x27c: {  	v1 =	vadd.f32 v63, v59;
	v59 =	vld [tilespmem:s30+$0x89B0]  }
0x27d: {  	v63 =	vld [tilespmem:s30+$0xC830]  }
0x27e: {  	v35 =	vld [tilespmem:s30+$0x89C0]  }
0x27f: {  	v23 =	vmul.f32 $2.560000000e+02, v57;
	v57 =	vld [tilespmem:s30+$0x8AE0]  }
0x280: {  	v1 =	vadd.f32 v1, v11;
	v11 =	vld.idx.msk [tilespmem:v6+s5+$0x0], $0xffff  }
0x281: {  	v42 =	vtrunc.f32 v10;
	v10 =	vld.idx.msk [tilespmem:v37+s5+$0x0], $0xffff  }
0x282: {  	v40 =	vor.u32 $0x80, v37;
	v37 =	vld [tilespmem:s30+$0x8AC0]  }
0x283: {  	v5 =	vadd.f32 v39, v38;
	v38 =	vld [tilespmem:s30+$0x8B40]  }
0x284: {  	v41 =	vshll.u32 v3, $0x1;
	v39 =	vld [tilespmem:s30+$0x8BC0]  }
0x285: {  	v26 =	vmul.f32 $3.200000000e+01, v26;
	v27 =	vmul.f32 $1.600000000e+01, v27;
	v43 =	vand.u32 $0xFFFFFF00, v41;
	v41 =	vld [tilespmem:s30+$0xC8C0]  }
0x286: {  	v6 =	vcvt.f32.s32 v42;
	v42 =	vld [tilespmem:s30+$0x8850]  }
0x287: {  	v28 =	vmul.f32 $8.000000000e+00, v60;
	v60 =	vadd.f32 v27, v26;
	v27 =	vld [tilespmem:s30+$0xC860]  }
0x288: {  	v3 =	vand.u32 $0x7F, v3;
	v7 =	vld.idx.msk [tilespmem:v40+s5+$0x0], $0xffff;
	v2 =	vadd.f32 v5, v2  }
0x289: {  	v29 =	vmul.f32 $4.000000000e+00, v61;
	v3 =	vor.u32 v3, v43;
	v40 =	vld [tilespmem:s30+$0xC840];
	v45 =	vshll.u32 v6, $0x1  }
0x28a: {  	v43 =	vld [tilespmem:s30+$0x88D0];
	v46 =	vand.u32 $0x7F, v6;
	v47 =	vand.u32 $0xFFFFFF00, v45;
	v2 =	vtrunc.f32 v2  }
0x28b: {  	v26 =	vmul.f32 $5.120000000e+02, v32;
	v32 =	vld [tilespmem:s30+$0xC870];
	v0 =	vor.u32 v46, v47;
	v2 =	vcvt.f32.s32 v2  }
0x28c: {  	v61 =	vadd.f32 v29, v28;
	v29 =	vld [tilespmem:s30+$0xC8E0]  }
0x28d: {  	v28 =	vld [tilespmem:s30+$0x8AF0];
	v50 =	vshll.u32 v2, $0x1  }
0x28e: {  	v45 =	vld [tilespmem:s30+$0x89D0];
	v2 =	vand.u32 $0x7F, v2;
	v52 =	vand.u32 $0xFFFFFF00, v50  }
0x28f: {  	v46 =	vld [tilespmem:s30+$0x8A50];
	v2 =	vor.u32 v2, v52  }
0x290: {  	v25 =	vmul.f32 $6.400000000e+01, v59;
	v49 =	vor.u32 $0x80, v0;
	v0 =	vld.idx.msk [tilespmem:v0+s5+$0x0], $0xffff;
	v53 =	vor.u32 $0x80, v2  }
0x291: {  	v63 =	vadd.f32 v63, v63;
	v47 =	vld [tilespmem:s30+$0x8AD0]  }
0x292: {  	v1 =	vtrunc.f32 v1;
	v59 =	vadd.f32 v25, v24;
	v25 =	vld [tilespmem:s30+$0x8BE0]  }
0x293: {  	v1 =	vcvt.f32.s32 v1;
	v4 =	vadd.f32 v4, v63;
	v63 =	vmul.f32 $1.600000000e+01, v37;
	v37 =	vld [tilespmem:s30+$0x8BF0]  }
0x294: {  	v44 =	vor.u32 $0x80, v3;
	v9 =	vld.idx.msk [tilespmem:v3+s5+$0x0], $0xffff  }
0x295: {  	s28 =	sor.u32 $0x2, s29;
	v48 =	vshll.u32 v1, $0x1;
	[tilespmem:$0x1FED0] =	vst v0;
	v0 =	vld.idx.msk [tilespmem:v53+s5+$0x0], $0xffff  }
0x296: {  	s31 =	sshll.u32 s28, $0xA;
	v6 =	vand.u32 $0xFFFFFF00, v48;
	v48 =	vld [tilespmem:s30+$0x8B50]  }
0x297: {  	s0 =	sand.u32 $0x3FFFFC00, s31;
	v3 =	vadd.f32 v61, v60;
	v61 =	vmul.f32 $3.200000000e+01, v36;
	v36 =	vld [tilespmem:s30+$0x89F0]  }
0x298: {  	v60 =	vmul.f32 $6.400000000e+01, v35;
	v35 =	vmul.f32 $5.120000000e+02, v42;
	v42 =	vld [tilespmem:s0+$0x8800]  }
0x299: {  	v5 =	vld.idx.msk [tilespmem:v44+s5+$0x0], $0xffff  }
0x29a: {  	[tilespmem:$0x1FF10] =	vst v0;
	v0 =	vld [tilespmem:s30+$0x8830]  }
0x29b: {  	v8 =	vmul.f32 $2.560000000e+02, v8;
	v1 =	vand.u32 $0x7F, v1;
	v44 =	vld [tilespmem:s30+$0x8950]  }
0x29c: {  	v1 =	vor.u32 v1, v6;
	v50 =	vld [tilespmem:s30+$0xC850]  }
0x29d: {  	v26 =	vadd.f32 v8, v26;
	v8 =	vadd.f32 v63, v61;
	v63 =	vmul.f32 $6.400000000e+01, v45;
	v45 =	vld [tilespmem:s0+$0x8B80]  }
0x29e: {  	v51 =	vor.u32 $0x80, v1;
	v52 =	vld [tilespmem:s30+$0x8860]  }
0x29f: {  	v54 =	vld.idx.msk [tilespmem:v49+s5+$0x0], $0xffff;
	v0 =	vmul.f32 $5.120000000e+02, v0  }
0x2a0: {  	v49 =	vld [tilespmem:s30+$0x8BD0]  }
0x2a1: {  	v6 =	vld.idx.msk [tilespmem:v1+s5+$0x0], $0xffff;
	v0 =	vadd.f32 v23, v0  }
0x2a2: {  	v61 =	vmul.f32 $1.280000000e+02, v44;
	v44 =	vld [tilespmem:s0+$0x8A00]  }
0x2a3: {  	v55 =	vld.idx.msk [tilespmem:v51+s5+$0x0], $0xffff;
	v0 =	vadd.f32 v59, v0  }
0x2a4: {  	v56 =	vld.idx.msk [tilespmem:v2+s5+$0x0], $0xffff  }
0x2a5: {  	v51 =	vld [tilespmem:s30+$0xC8D0];
	v0 =	vadd.f32 v3, v0  }
0x2a6: {  	v53 =	vld [tilespmem:s30+$0x88E0];
	v59 =	vmul.f32 $1.280000000e+02, v34  }
0x2a7: {  	[tilespmem:$0x1FEE0] =	vst v54;
	v54 =	vld [tilespmem:s30+$0x8960];
	v3 =	vmul.f32 $8.000000000e+00, v38;
	v0 =	vadd.f32 v0, v4;
	v4 =	vmul.f32 $4.000000000e+00, v39  }
0x2a8: {  	[tilespmem:$0x1FEF0] =	vst v55;
	v55 =	vld [tilespmem:s30+$0x89E0]  }
0x2a9: {  	[tilespmem:$0x1FF00] =	vst v56;
	v56 =	vld [tilespmem:s30+$0x8A60];
	v23 =	vadd.f32 v60, v59;
	v24 =	vadd.f32 v4, v3  }
0x2aa: {  	v34 =	vld [tilespmem:s30+$0x8B70];
	v59 =	vadd.f32 v40, v40  }
0x2ab: {  	v38 =	vld [tilespmem:s30+$0x8A70];
	v23 =	vadd.f32 v23, v26;
	v24 =	vadd.f32 v24, v8  }
0x2ac: {  	v40 =	vld [tilespmem:s30+$0xC8F0];
	v60 =	vadd.f32 v41, v59;
	v39 =	vmul.f32 $2.560000000e+02, v43;
	v59 =	vmul.f32 $8.000000000e+00, v48  }
0x2ad: {  	v48 =	vld [tilespmem:s0+$0x8900];
	v0 =	vtrunc.f32 v0;
	v4 =	vmul.f32 $3.200000000e+01, v46;
	v23 =	vadd.f32 v24, v23  }
0x2ae: {  	v46 =	vld [tilespmem:s0+$0x8880];
	v35 =	vadd.f32 v39, v35;
	v0 =	vcvt.f32.s32 v0;
	v8 =	vmul.f32 $1.600000000e+01, v47  }
0x2af: {  	v39 =	vld [tilespmem:s0+$0x8980];
	v47 =	vmul.f32 $5.120000000e+02, v52;
	v23 =	vadd.f32 v23, v60;
	v60 =	vmul.f32 $4.000000000e+00, v49  }
0x2b0: {  	v52 =	vld [tilespmem:s0+$0xC810];
	v43 =	vand.u32 $0x7F, v0;
	v0 =	vshll.u32 v0, $0x1;
	v24 =	vadd.f32 v63, v61  }
0x2b1: {  	v61 =	vadd.f32 v8, v4;
	v49 =	vld [tilespmem:s0+$0x8A80];
	v23 =	vtrunc.f32 v23;
	v26 =	vadd.f32 v60, v59  }
0x2b2: {  	v4 =	vadd.f32 v50, v50;
	v8 =	vadd.f32 v24, v35;
	v35 =	vld [tilespmem:s0+$0x8B00];
	v63 =	vcvt.f32.s32 v23  }
0x2b3: {  	v0 =	vand.u32 $0xFFFFFF00, v0;
	v60 =	vmul.f32 $6.400000000e+01, v55;
	v55 =	vld [tilespmem:s0+$0x8810];
	v50 =	vadd.f32 v26, v61  }
0x2b4: {  	v59 =	vand.u32 $0x7F, v63;
	v61 =	vshll.u32 v63, $0x1;
	v63 =	vadd.f32 v51, v4;
	v51 =	vld [tilespmem:s0+$0xC800]  }
0x2b5: {  	v23 =	vor.u32 v43, v0;
	v0 =	vadd.f32 v50, v8;
	v50 =	vmul.f32 $2.560000000e+02, v53;
	v53 =	vld [tilespmem:s0+$0xC880]  }
0x2b6: {  	v4 =	vand.u32 $0xFFFFFF00, v61;
	v61 =	vmul.f32 $3.200000000e+01, v56;
	v56 =	vld [tilespmem:s0+$0x8890]  }
0x2b7: {  	v32 =	vadd.f32 v32, v32;
	v8 =	vmul.f32 $1.280000000e+02, v54;
	v54 =	vld [tilespmem:s0+$0x8990]  }
0x2b8: {  	v33 =	vmul.f32 $1.280000000e+02, v33;
	v24 =	vor.u32 v59, v4;
	v59 =	vld [tilespmem:s0+$0xC890]  }
0x2b9: {  	v4 =	vmul.f32 $8.000000000e+00, v58;
	v58 =	vadd.f32 v40, v32;
	v32 =	vmul.f32 $5.120000000e+02, v42;
	v42 =	vld [tilespmem:s0+$0x8AA0]  }
0x2ba: {  	v27 =	vadd.f32 v27, v27;
	v28 =	vmul.f32 $1.600000000e+01, v28;
	v25 =	vmul.f32 $4.000000000e+00, v25;
	v40 =	vld [tilespmem:s0+$0xC820]  }
0x2bb: {  	v37 =	vmul.f32 $4.000000000e+00, v37;
	v36 =	vmul.f32 $6.400000000e+01, v36;
	v47 =	vadd.f32 v50, v47;
	v50 =	vld [tilespmem:s0+$0x8910]  }
0x2bc: {  	v0 =	vadd.f32 v0, v63;
	v63 =	vmul.f32 $1.600000000e+01, v57;
	v41 =	vadd.f32 v60, v8;
	v57 =	vld [tilespmem:s0+$0x8A10]  }
0x2bd: {  	v44 =	vmul.f32 $3.200000000e+01, v44;
	v8 =	vadd.f32 v25, v4;
	v4 =	vadd.f32 v36, v33;
	v33 =	vld [tilespmem:s0+$0x8820]  }
0x2be: {  	v27 =	vadd.f32 v29, v27;
	v34 =	vmul.f32 $8.000000000e+00, v34;
	v38 =	vmul.f32 $3.200000000e+01, v38;
	v36 =	vld [tilespmem:s0+$0x88A0]  }
0x2bf: {  	v0 =	vtrunc.f32 v0;
	v43 =	vadd.f32 v63, v61;
	v41 =	vadd.f32 v41, v47;
	v47 =	vld [tilespmem:s0+$0x8A90]  }
0x2c0: {  	v34 =	vadd.f32 v37, v34;
	v61 =	vmul.f32 $5.120000000e+02, v30;
	v63 =	vmul.f32 $2.560000000e+02, v31;
	v31 =	vld [tilespmem:s0+$0x8B10]  }
0x2c1: {  	v0 =	vcvt.f32.s32 v0;
	v43 =	vadd.f32 v8, v43;
	v8 =	vadd.f32 v28, v38;
	v38 =	vld [tilespmem:s0+$0x8920]  }
0x2c2: {  	v29 =	vadd.f32 v63, v61;
	v61 =	vmul.f32 $1.280000000e+02, v48;
	v48 =	vmul.f32 $2.560000000e+02, v56;
	v56 =	vld [tilespmem:s0+$0x8A30]  }
0x2c3: {  	v60 =	vand.u32 $0x7F, v0;
	v0 =	vshll.u32 v0, $0x1;
	v41 =	vadd.f32 v43, v41;
	v43 =	vld [tilespmem:s0+$0x8B90]  }
0x2c4: {  	v0 =	vand.u32 $0xFFFFFF00, v0;
	v29 =	vadd.f32 v4, v29;
	v4 =	vmul.f32 $1.600000000e+01, v49;
	v49 =	vld [tilespmem:s0+$0x8B20]  }
0x2c5: {  	v41 =	vadd.f32 v41, v27;
	v27 =	vor.u32 v60, v0;
	v0 =	vadd.f32 v34, v8;
	v34 =	vld [tilespmem:s0+$0x89A0]  }
0x2c6: {  	v39 =	vmul.f32 $6.400000000e+01, v39;
	v8 =	vmul.f32 $8.000000000e+00, v35;
	v35 =	vld [tilespmem:s0+$0xC8A0]  }
0x2c7: {  	v60 =	vmul.f32 $2.560000000e+02, v46;
	v46 =	vld [tilespmem:s0+$0x8830]  }
0x2c8: {  	v39 =	vadd.f32 v39, v61;
	v61 =	vadd.f32 v4, v44;
	v44 =	vmul.f32 $5.120000000e+02, v55;
	v55 =	vld [tilespmem:s0+$0x8940]  }
0x2c9: {  	v3 =	vmul.f32 $3.200000000e+01, v56;
	v56 =	vld [tilespmem:s0+$0x8950];
	v41 =	vtrunc.f32 v41;
	v0 =	vadd.f32 v0, v29  }
0x2ca: {  	v44 =	vadd.f32 v48, v44;
	v48 =	vld [tilespmem:s0+$0x8B30];
	v37 =	vcvt.f32.s32 v41  }
0x2cb: {  	v41 =	vld [tilespmem:s0+$0x8A20];
	v0 =	vadd.f32 v0, v58  }
0x2cc: {  	v58 =	vmul.f32 $4.000000000e+00, v45;
	v45 =	vld [tilespmem:s0+$0x8BA0];
	v63 =	vand.u32 $0x7F, v37;
	v37 =	vshll.u32 v37, $0x1  }
0x2cd: {  	v42 =	vmul.f32 $1.600000000e+01, v42;
	v32 =	vadd.f32 v60, v32;
	v60 =	vand.u32 $0xFFFFFF00, v37;
	v37 =	vld [tilespmem:s0+$0x88B0]  }
0x2ce: {  	v47 =	vmul.f32 $1.600000000e+01, v47;
	v30 =	vadd.f32 v58, v8;
	v58 =	vmul.f32 $1.280000000e+02, v38;
	v38 =	vld [tilespmem:s0+$0x88C0]  }
0x2cf: {  	v32 =	vadd.f32 v39, v32;
	v29 =	vor.u32 v63, v60;
	v63 =	vadd.f32 v51, v51;
	v51 =	vld [tilespmem:s0+$0x8930]  }
0x2d0: {  	v30 =	vadd.f32 v30, v61;
	v61 =	vmul.f32 $3.200000000e+01, v57;
	v57 =	vadd.f32 v52, v52;
	v52 =	vld [tilespmem:s0+$0xC830]  }
0x2d1: {  	v0 =	vtrunc.f32 v0;
	v41 =	vmul.f32 $3.200000000e+01, v41;
	v4 =	vadd.f32 v53, v63;
	v53 =	vld [tilespmem:s0+$0x89B0]  }
0x2d2: {  	v0 =	vcvt.f32.s32 v0;
	v30 =	vadd.f32 v30, v32;
	v32 =	vmul.f32 $1.280000000e+02, v50;
	v50 =	vld [tilespmem:s0+$0x8BB0]  }
0x2d3: {  	v8 =	vmul.f32 $6.400000000e+01, v54;
	v47 =	vadd.f32 v47, v61;
	v61 =	vadd.f32 v42, v41;
	v42 =	vld [tilespmem:s0+$0x8AC0]  }
0x2d4: {  	v60 =	vand.u32 $0x7F, v0;
	v63 =	vmul.f32 $8.000000000e+00, v31;
	v0 =	vshll.u32 v0, $0x1;
	v41 =	vld [tilespmem:s0+$0x8BD0]  }
0x2d5: {  	v0 =	vand.u32 $0xFFFFFF00, v0;
	v39 =	vadd.f32 v30, v4;
	v4 =	vmul.f32 $4.000000000e+00, v43;
	v43 =	vld [tilespmem:s0+$0x8AB0]  }
0x2d6: {  	v32 =	vadd.f32 v8, v32;
	v30 =	vor.u32 v60, v0;
	v60 =	vmul.f32 $8.000000000e+00, v49;
	v49 =	vld [tilespmem:s0+$0x89C0]  }
0x2d7: {  	v45 =	vmul.f32 $4.000000000e+00, v45;
	v1 =	vmul.f32 $1.280000000e+02, v51;
	v51 =	vld [tilespmem:s0+$0x89D0]  }
0x2d8: {  	v33 =	vmul.f32 $5.120000000e+02, v33;
	v32 =	vadd.f32 v32, v44;
	v44 =	vld [tilespmem:s0+$0xC8B0]  }
0x2d9: {  	v36 =	vmul.f32 $2.560000000e+02, v36;
	v31 =	vadd.f32 v4, v63;
	v63 =	vadd.f32 v45, v60;
	v60 =	vld [tilespmem:s0+$0x8B40]  }
0x2da: {  	v26 =	vor.u32 $0x80, v23;
	v34 =	vmul.f32 $6.400000000e+01, v34;
	v48 =	vmul.f32 $8.000000000e+00, v48;
	v45 =	vld [tilespmem:s0+$0xC840]  }
0x2db: {  	v33 =	vadd.f32 v36, v33;
	v8 =	vtrunc.f32 v39;
	v2 =	vmul.f32 $6.400000000e+01, v53;
	v53 =	vld [tilespmem:s0+$0x88D0]  }
0x2dc: {  	v37 =	vmul.f32 $2.560000000e+02, v37;
	v0 =	vcvt.f32.s32 v8;
	v8 =	vadd.f32 v40, v40;
	v40 =	vld [tilespmem:s0+$0xC8D0]  }
0x2dd: {  	v38 =	vmul.f32 $2.560000000e+02, v38;
	v52 =	vadd.f32 v52, v52;
	v31 =	vadd.f32 v31, v47;
	v47 =	vld [tilespmem:s0+$0x8840]  }
0x2de: {  	v39 =	vadd.f32 v59, v57;
	v50 =	vmul.f32 $4.000000000e+00, v50;
	v36 =	vadd.f32 v63, v61;
	v61 =	vld [tilespmem:s0+$0x8BC0]  }
0x2df: {  	v42 =	vmul.f32 $1.600000000e+01, v42;
	v63 =	vmul.f32 $5.120000000e+02, v46;
	v46 =	vld [tilespmem:s0+$0x8850];
	v59 =	vand.u32 $0x7F, v0  }
0x2e0: {  	v35 =	vadd.f32 v35, v8;
	v8 =	vmul.f32 $1.280000000e+02, v55;
	v49 =	vmul.f32 $6.400000000e+01, v49;
	v55 =	vld [tilespmem:s0+$0x8AD0]  }
0x2e1: {  	v0 =	vshll.u32 v0, $0x1;
	v31 =	vadd.f32 v31, v32;
	v32 =	vadd.f32 v34, v58;
	v34 =	vld [tilespmem:s0+$0x8A40]  }
0x2e2: {  	v43 =	vmul.f32 $1.600000000e+01, v43;
	v37 =	vadd.f32 v37, v63;
	v63 =	vadd.f32 v49, v8;
	v49 =	vld [tilespmem:s0+$0xC850]  }
0x2e3: {  	v0 =	vand.u32 $0xFFFFFF00, v0;
	v8 =	vmul.f32 $2.560000000e+02, v53;
	v53 =	vld [tilespmem:s0+$0x8B60];
	v33 =	vadd.f32 v32, v33  }
0x2e4: {  	v48 =	vadd.f32 v50, v48;
	v39 =	vadd.f32 v31, v39;
	v31 =	vor.u32 v59, v0;
	v59 =	vld [tilespmem:s0+$0x8B50]  }
0x2e5: {  	v60 =	vmul.f32 $8.000000000e+00, v60;
	v61 =	vmul.f32 $4.000000000e+00, v61;
	v33 =	vadd.f32 v36, v33;
	v36 =	vld [tilespmem:s0+$0xC8C0]  }
0x2e6: {  	v4 =	vtrunc.f32 v39;
	v39 =	vadd.f32 v43, v3;
	v3 =	vadd.f32 v44, v52;
	v43 =	vld.idx.msk [tilespmem:v23+s5+$0x0], $0xffff  }
0x2e7: {  	v44 =	vld.idx.msk [tilespmem:v26+s5+$0x0], $0xffff;
	v0 =	vcvt.f32.s32 v4;
	v4 =	vmul.f32 $5.120000000e+02, v47;
	v33 =	vadd.f32 v33, v35  }
0x2e8: {  	v47 =	vld [tilespmem:s0+$0x8A50];
	v34 =	vmul.f32 $3.200000000e+01, v34;
	v35 =	vadd.f32 v2, v1;
	v2 =	vadd.f32 v45, v45  }
0x2e9: {  	v45 =	vld [tilespmem:s0+$0x8860];
	v58 =	vand.u32 $0x7F, v0;
	v0 =	vshll.u32 v0, $0x1;
	v38 =	vadd.f32 v38, v4  }
0x2ea: {  	v34 =	vadd.f32 v42, v34;
	v4 =	vmul.f32 $5.120000000e+02, v46;
	v46 =	vld [tilespmem:s0+$0x8A60];
	v0 =	vand.u32 $0xFFFFFF00, v0  }
0x2eb: {  	v35 =	vadd.f32 v35, v37;
	v0 =	vor.u32 v58, v0;
	v58 =	vmul.f32 $6.400000000e+01, v51;
	v51 =	vld [tilespmem:s0+$0x8AE0]  }
0x2ec: {  	v25 =	vor.u32 $0x80, v24;
	v37 =	vadd.f32 v61, v60;
	v38 =	vadd.f32 v63, v38;
	v63 =	vld [tilespmem:s0+$0x8BE0]  }
0x2ed: {  	v28 =	vor.u32 $0x80, v27;
	v39 =	vadd.f32 v48, v39;
	v42 =	vadd.f32 v8, v4;
	v8 =	vld [tilespmem:s0+$0xC860]  }
0x2ee: {  	v56 =	vmul.f32 $1.280000000e+02, v56;
	v57 =	vor.u32 $0x80, v30;
	v34 =	vadd.f32 v37, v34;
	v37 =	vld [tilespmem:s0+$0x88E0]  }
0x2ef: {  	v60 =	vmul.f32 $1.600000000e+01, v55;
	v36 =	vadd.f32 v36, v2;
	v35 =	vadd.f32 v39, v35;
	v39 =	vld [tilespmem:s0+$0x8960]  }
0x2f0: {  	v2 =	vadd.f32 v49, v49;
	v47 =	vmul.f32 $3.200000000e+01, v47;
	v4 =	vmul.f32 $5.120000000e+02, v45;
	v45 =	vld.idx.msk [tilespmem:v24+s5+$0x0], $0xffff  }
0x2f1: {  	v41 =	vmul.f32 $4.000000000e+00, v41;
	v61 =	vmul.f32 $8.000000000e+00, v59;
	v34 =	vadd.f32 v34, v38;
	v38 =	vld [tilespmem:s0+$0x89E0]  }
0x2f2: {  	v33 =	vtrunc.f32 v33;
	v1 =	vadd.f32 v60, v47;
	v47 =	vadd.f32 v40, v2;
	v40 =	vld.idx.msk [tilespmem:v28+s5+$0x0], $0xffff  }
0x2f3: {  	v33 =	vcvt.f32.s32 v33;
	v35 =	vadd.f32 v35, v3;
	v3 =	vadd.f32 v41, v61;
	v41 =	vld.idx.msk [tilespmem:v29+s5+$0x0], $0xffff  }
0x2f4: {  	v34 =	vadd.f32 v34, v36;
	v36 =	vadd.f32 v58, v56;
	v58 =	vmul.f32 $3.200000000e+01, v46;
	v46 =	vld.idx.msk [tilespmem:v25+s5+$0x0], $0xffff  }
0x2f5: {  	v48 =	vor.u32 $0x80, v0;
	v60 =	vadd.f32 v3, v1;
	v1 =	vld [tilespmem:s0+$0xC8E0]  }
0x2f6: {  	v23 =	vshll.u32 v33, $0x1;
	v2 =	vtrunc.f32 v35;
	v35 =	vld.idx.msk [tilespmem:v31+s5+$0x0], $0xffff  }
0x2f7: {  	v50 =	vand.u32 $0x7F, v33;
	v23 =	vand.u32 $0xFFFFFF00, v23;
	v33 =	vld.idx.msk [tilespmem:v0+s5+$0x0], $0xffff  }
0x2f8: {  	v23 =	vor.u32 v50, v23;
	v55 =	vadd.f32 v36, v42;
	v42 =	vld.idx.msk [tilespmem:v27+s5+$0x0], $0xffff  }
0x2f9: {  	s29 =	sor.u32 $0x3, s29;
	v61 =	vmul.f32 $8.000000000e+00, v53;
	v59 =	vmul.f32 $1.600000000e+01, v51;
	v36 =	vld.idx.msk [tilespmem:v57+s5+$0x0], $0xffff  }
0x2fa: {  	s31 =	sshll.u32 s29, $0xA;
	v63 =	vmul.f32 $4.000000000e+00, v63;
	v52 =	vtrunc.f32 v34;
	v34 =	vld.idx.msk [tilespmem:v48+s5+$0x0], $0xffff  }
0x2fb: {  	s30 =	sand.u32 $0x3FFFFC00, s31;
	v54 =	vor.u32 $0x80, v29;
	v48 =	vld [tilespmem:s0+$0x8970]  }
0x2fc: {  	v3 =	vadd.f32 v59, v58;
	v26 =	vadd.f32 v63, v61;
	v27 =	vcvt.f32.s32 v2;
	v2 =	vld [tilespmem:s30+$0xC800]  }
0x2fd: {  	s26 =	sshll.u32 s26, $0x8;
	v32 =	vor.u32 $0x80, v31;
	v37 =	vmul.f32 $2.560000000e+02, v37;
	v45 =	vmul.f32 v45, v62;
	v31 =	vld.idx.msk [tilespmem:v23+s5+$0x0], $0xffff  }
0x2fe: {  	s26 =	sand.u32 $0x3FFFFF00, s26;
	v39 =	vmul.f32 $1.280000000e+02, v39;
	v38 =	vmul.f32 $6.400000000e+01, v38;
	v26 =	vadd.f32 v26, v3;
	v3 =	vld [tilespmem:s30+$0xC880]  }
0x2ff: {  	v37 =	vadd.f32 v37, v4;
	v4 =	vadd.f32 v8, v8;
	[tilespmem:s26+$0x11840] =	vst v45;
	v45 =	vld [tilespmem:s30+$0x8A70]  }
0x300: {  	v49 =	vor.u32 $0x80, v23;
	v24 =	vadd.f32 v60, v55;
	v38 =	vadd.f32 v38, v39;
	v39 =	vld.idx.msk [tilespmem:v30+s5+$0x0], $0xffff  }
0x301: {  	v25 =	vadd.f32 v1, v4;
	v1 =	vld [tilespmem:s30+$0x8B80]  }
0x302: {  	v50 =	vshll.u32 v27, $0x1;
	v27 =	vand.u32 $0x7F, v27;
	v24 =	vadd.f32 v24, v47;
	v47 =	vld [tilespmem:s0+$0x88F0]  }
0x303: {  	v53 =	vand.u32 $0xFFFFFF00, v50;
	v30 =	vcvt.f32.s32 v52;
	v8 =	vadd.f32 v38, v37;
	v38 =	vld.idx.msk [tilespmem:v54+s5+$0x0], $0xffff  }
0x304: {  	v27 =	vor.u32 v27, v53;
	v37 =	vld.idx.msk [tilespmem:v32+s5+$0x0], $0xffff  }
0x305: {  	v55 =	vshll.u32 v30, $0x1;
	v56 =	vand.u32 $0x7F, v30;
	v30 =	vld.idx.msk [tilespmem:v49+s5+$0x0], $0xffff  }
0x306: {  	v2 =	vadd.f32 v2, v2;
	v28 =	vand.u32 $0xFFFFFF00, v55;
	v55 =	vld [tilespmem:s0+$0xC8F0]  }
0x307: {  	v54 =	vor.u32 $0x80, v27;
	v24 =	vtrunc.f32 v24;
	v0 =	vor.u32 v56, v28;
	v56 =	vld [tilespmem:s30+$0x8800]  }
0x308: {  	v26 =	vadd.f32 v26, v8;
	v24 =	vcvt.f32.s32 v24;
	v2 =	vadd.f32 v3, v2;
	v3 =	vld [tilespmem:s30+$0x8920]  }
0x309: {  	v32 =	vld.idx.msk [tilespmem:v27+s5+$0x0], $0xffff  }
0x30a: {  	v58 =	vor.u32 $0x80, v0;
	v25 =	vadd.f32 v26, v25;
	v57 =	vshll.u32 v24, $0x1;
	v26 =	vld [tilespmem:s0+$0x8AF0]  }
0x30b: {  	v24 =	vand.u32 $0x7F, v24;
	v28 =	vand.u32 $0xFFFFFF00, v57;
	v57 =	vld [tilespmem:s30+$0x8880]  }
0x30c: {  	v24 =	vor.u32 v24, v28;
	v28 =	vld.idx.msk [tilespmem:v54+s5+$0x0], $0xffff  }
0x30d: {  	v25 =	vtrunc.f32 v25;
	v54 =	vld [tilespmem:s30+$0x8A10]  }
0x30e: {  	v25 =	vcvt.f32.s32 v25;
	v29 =	vld.idx.msk [tilespmem:v0+s5+$0x0], $0xffff  }
0x30f: {  	v4 =	vld.idx.msk [tilespmem:v58+s5+$0x0], $0xffff  }
0x310: {  	v60 =	vor.u32 $0x80, v24;
	v58 =	vld [tilespmem:s30+$0x8900];
	v59 =	vshll.u32 v25, $0x1  }
0x311: {  	v61 =	vand.u32 $0xFFFFFF00, v59;
	v59 =	vld [tilespmem:s30+$0x8980]  }
0x312: {  	v25 =	vand.u32 $0x7F, v25;
	v27 =	vld.idx.msk [tilespmem:v24+s5+$0x0], $0xffff  }
0x313: {  	v25 =	vor.u32 v25, v61;
	v24 =	vld [tilespmem:s0+$0x89F0]  }
0x314: {  	v61 =	vld [tilespmem:s30+$0x8A80]  }
0x315: {  	v63 =	vor.u32 $0x80, v25;
	v8 =	vld.idx.msk [tilespmem:v60+s5+$0x0], $0xffff  }
0x316: {  	v60 =	vld [tilespmem:s30+$0x8A00]  }
0x317: {  	[tilespmem:$0x1FF20] =	vst v4;
	v4 =	vld [tilespmem:s0+$0x8B70]  }
0x318: {  	v23 =	vld.idx.msk [tilespmem:v25+s5+$0x0], $0xffff  }
0x319: {  	v25 =	vld [tilespmem:s0+$0x8A70]  }
0x31a: {  	v0 =	vld.idx.msk [tilespmem:v63+s5+$0x0], $0xffff  }
0x31b: {  	[tilespmem:$0x1FF30] =	vst v8;
	v8 =	vld [tilespmem:s0+$0x8BF0]  }
0x31c: {  	v48 =	vmul.f32 $1.280000000e+02, v48;
	v49 =	vmul.f32 $6.400000000e+01, v24;
	v63 =	vld [tilespmem:s30+$0x8B00]  }
0x31d: {  	v52 =	vmul.f32 $8.000000000e+00, v4;
	v4 =	vmul.f32 $2.560000000e+02, v57;
	v57 =	vld [tilespmem:s30+$0x8A90]  }
0x31e: {  	v24 =	vadd.f32 v49, v48;
	v49 =	vmul.f32 v12, v62;
	v12 =	vmul.f32 $1.280000000e+02, v58;
	v58 =	vld [tilespmem:s30+$0xC890]  }
0x31f: {  	v51 =	vmul.f32 $1.600000000e+01, v26;
	[tilespmem:$0x1FF40] =	vst v23;
	v23 =	vld [tilespmem:s0+$0xC870];
	v50 =	vmul.f32 $3.200000000e+01, v25  }
0x320: {  	[tilespmem:$0x1FF50] =	vst v0;
	v0 =	vld [tilespmem:s0+$0x8870]  }
0x321: {  	s31 =	sshll.u32 s25, $0x5;
	v48 =	vmul.f32 v13, v62;
	v25 =	vadd.f32 v51, v50;
	v51 =	vld [tilespmem:s30+$0x8810]  }
0x322: {  	v53 =	vmul.f32 $4.000000000e+00, v8;
	s0 =	sand.u32 $0x3FFFFFE0, s31;
	v50 =	vld [tilespmem:s30+$0x8910]  }
0x323: {  	v35 =	vmul.f32 v35, v62;
	v42 =	vmul.f32 v42, v62;
	[tilespmem:s0+$0x11880] =	vst v48;
	v48 =	vld [tilespmem:s30+$0x8850]  }
0x324: {  	v1 =	vmul.f32 $4.000000000e+00, v1;
	v47 =	vmul.f32 $2.560000000e+02, v47;
	v26 =	vadd.f32 v53, v52;
	v53 =	vld [tilespmem:s30+$0x8890]  }
0x325: {  	v52 =	vld [tilespmem:s30+$0x8990];
	v8 =	vadd.f32 v23, v23;
	v23 =	vmul.f32 v21, v62;
	v0 =	vmul.f32 $5.120000000e+02, v0  }
0x326: {  	v13 =	vadd.f32 v26, v25;
	v25 =	vmul.f32 v22, v62;
	v26 =	vmul.f32 $5.120000000e+02, v56;
	v56 =	vld [tilespmem:s30+$0x88A0]  }
0x327: {  	v22 =	vmul.f32 v11, v62;
	v21 =	vmul.f32 v14, v62;
	[tilespmem:s0+$0x11820] =	vst v23;
	v23 =	vld [tilespmem:s30+$0x8950];
	v0 =	vadd.f32 v47, v0  }
0x328: {  	[tilespmem:s0+$0x118A0] =	vst v25;
	v25 =	vld [tilespmem:s30+$0x8A50];
	v47 =	vmul.f32 v19, v62;
	v19 =	vmul.f32 v20, v62  }
0x329: {  	[tilespmem:s0+$0x118B0] =	vst v21;
	v21 =	vld [tilespmem:s30+$0x8BD0];
	v20 =	vmul.f32 v15, v62;
	v15 =	vmul.f32 v16, v62;
	v0 =	vadd.f32 v24, v0  }
0x32a: {  	v30 =	vmul.f32 v30, v62;
	v14 =	vmul.f32 v17, v62;
	[tilespmem:s0+$0x11830] =	vst v22;
	v22 =	vld [tilespmem:s30+$0xC850];
	v24 =	vadd.f32 v55, v8  }
0x32b: {  	v8 =	vmul.f32 $3.200000000e+01, v60;
	v60 =	vld [tilespmem:s30+$0x8B10];
	[tilespmem:s0+$0x118C0] =	vst v15;
	v15 =	vmul.f32 v38, v62;
	v0 =	vadd.f32 v13, v0  }
0x32c: {  	v55 =	vld [tilespmem:s30+$0xC810];
	v38 =	vmul.f32 v39, v62;
	v13 =	vmul.f32 $6.400000000e+01, v59  }
0x32d: {  	v59 =	vld [tilespmem:s30+$0x8820];
	v39 =	vmul.f32 $3.200000000e+01, v25;
	v25 =	vmul.f32 v36, v62;
	v0 =	vadd.f32 v0, v24  }
0x32e: {  	v24 =	vmul.f32 $1.600000000e+01, v61;
	v61 =	vadd.f32 v4, v26;
	v26 =	vmul.f32 $8.000000000e+00, v63;
	v63 =	vld [tilespmem:s30+$0x8B90]  }
0x32f: {  	v11 =	vadd.f32 v13, v12;
	v12 =	vmul.f32 $5.120000000e+02, v51;
	v13 =	vmul.f32 $2.560000000e+02, v53;
	v51 =	vld [tilespmem:s30+$0x89A0]  }
0x330: {  	v4 =	vmul.f32 $1.600000000e+01, v57;
	v53 =	vld [tilespmem:s30+$0x8BA0];
	v8 =	vadd.f32 v24, v8;
	v1 =	vadd.f32 v1, v26  }
0x331: {  	v57 =	vld [tilespmem:s30+$0xC820];
	v24 =	vmul.f32 v18, v62;
	v0 =	vtrunc.f32 v0  }
0x332: {  	[tilespmem:s26+$0x118F0] =	vst v25;
	v25 =	vld [tilespmem:$0x1FF20];
	v11 =	vadd.f32 v11, v61;
	v18 =	vmul.f32 $1.280000000e+02, v50;
	v1 =	vadd.f32 v1, v8  }
0x333: {  	v55 =	vadd.f32 v55, v55;
	v50 =	vmul.f32 $6.400000000e+01, v52;
	v52 =	vld [tilespmem:s30+$0x8A20];
	v26 =	vmul.f32 $3.200000000e+01, v54  }
0x334: {  	v54 =	vld [tilespmem:s30+$0x8AA0];
	v16 =	vadd.f32 v13, v12;
	v13 =	vmul.f32 $2.560000000e+02, v56;
	v1 =	vadd.f32 v1, v11  }
0x335: {  	v56 =	vld [tilespmem:s30+$0x8A30];
	v61 =	vadd.f32 v58, v55;
	v8 =	vmul.f32 $8.000000000e+00, v60;
	v11 =	vmul.f32 $4.000000000e+00, v63  }
0x336: {  	v0 =	vcvt.f32.s32 v0;
	v60 =	vld [tilespmem:s30+$0x8B20];
	v18 =	vadd.f32 v50, v18;
	v1 =	vadd.f32 v1, v2  }
0x337: {  	v12 =	vmul.f32 v10, v62;
	v55 =	vld [tilespmem:s30+$0x8930];
	v2 =	vadd.f32 v4, v26;
	v17 =	vadd.f32 v11, v8  }
0x338: {  	v58 =	vld [tilespmem:s30+$0x89B0];
	v50 =	vmul.f32 v7, v62;
	v18 =	vadd.f32 v18, v16;
	v26 =	vand.u32 $0x7F, v0  }
0x339: {  	v63 =	vld [tilespmem:s30+$0x8830];
	v0 =	vshll.u32 v0, $0x1;
	v1 =	vtrunc.f32 v1;
	v2 =	vadd.f32 v17, v2  }
0x33a: {  	v16 =	vmul.f32 v9, v62;
	v8 =	vld [tilespmem:s30+$0xC8A0];
	v0 =	vand.u32 $0xFFFFFF00, v0;
	v1 =	vcvt.f32.s32 v1  }
0x33b: {  	v4 =	vld [tilespmem:s30+$0x88B0];
	v9 =	vmul.f32 $8.000000000e+00, v60;
	v11 =	vor.u32 v26, v0;
	v2 =	vadd.f32 v2, v18  }
0x33c: {  	v60 =	vld [tilespmem:s30+$0x8BB0];
	v18 =	vmul.f32 v5, v62;
	v7 =	vshll.u32 v1, $0x1;
	v1 =	vand.u32 $0x7F, v1  }
0x33d: {  	v10 =	vand.u32 $0xFFFFFF00, v7;
	v5 =	vadd.f32 v2, v61;
	v7 =	vmul.f32 $1.600000000e+01, v54;
	v54 =	vld [tilespmem:s30+$0x8B30]  }
0x33e: {  	v61 =	vmul.f32 $6.400000000e+01, v51;
	v51 =	vld [tilespmem:$0x1FED0];
	v26 =	vor.u32 v1, v10;
	v1 =	vmul.f32 $5.120000000e+02, v59  }
0x33f: {  	v3 =	vmul.f32 $1.280000000e+02, v3;
	v21 =	vmul.f32 $4.000000000e+00, v21;
	v2 =	vld [tilespmem:s30+$0xC830]  }
0x340: {  	v17 =	vmul.f32 $3.200000000e+01, v52;
	v1 =	vadd.f32 v13, v1;
	v13 =	vmul.f32 $4.000000000e+00, v53;
	v53 =	vld [tilespmem:$0x1FEE0]  }
0x341: {  	v36 =	vmul.f32 v37, v62;
	v37 =	vmul.f32 v33, v62;
	v59 =	vld [tilespmem:s30+$0x8AB0];
	v3 =	vadd.f32 v61, v3  }
0x342: {  	v61 =	vadd.f32 v7, v17;
	v5 =	vtrunc.f32 v5;
	v0 =	vadd.f32 v13, v9;
	v9 =	vld [tilespmem:$0x1FEF0]  }
0x343: {  	v4 =	vmul.f32 $2.560000000e+02, v4;
	v5 =	vcvt.f32.s32 v5;
	v13 =	vld [tilespmem:$0x1FF00]  }
0x344: {  	v17 =	vld [tilespmem:$0x1FF10];
	v7 =	vmul.f32 v51, v62;
	v1 =	vadd.f32 v3, v1;
	v0 =	vadd.f32 v0, v61  }
0x345: {  	v3 =	vld [tilespmem:s30+$0x8840];
	v54 =	vmul.f32 $8.000000000e+00, v54;
	v10 =	vmul.f32 v53, v62  }
0x346: {  	v53 =	vmul.f32 v6, v62;
	v6 =	vld [tilespmem:s30+$0xC8B0];
	v0 =	vadd.f32 v0, v1;
	v1 =	vmul.f32 $1.280000000e+02, v55  }
0x347: {  	v2 =	vadd.f32 v2, v2;
	v55 =	vmul.f32 $4.000000000e+00, v60;
	v60 =	vld [tilespmem:s30+$0x8B40];
	v52 =	vmul.f32 v9, v62  }
0x348: {  	v51 =	vmul.f32 v13, v62;
	v9 =	vmul.f32 v43, v62;
	v43 =	vadd.f32 v57, v57;
	v57 =	vld [tilespmem:s30+$0x88C0]  }
0x349: {  	[tilespmem:s0+$0x11800] =	vst v49;
	v13 =	vmul.f32 v44, v62;
	v44 =	vmul.f32 v46, v62;
	v49 =	vadd.f32 v55, v54;
	v54 =	vld [tilespmem:s30+$0xC840]  }
0x34a: {  	v17 =	vmul.f32 v17, v62;
	v61 =	vadd.f32 v8, v43;
	v43 =	vmul.f32 $5.120000000e+02, v63;
	v8 =	vld [tilespmem:s30+$0x89C0]  }
0x34b: {  	v3 =	vmul.f32 $5.120000000e+02, v3;
	v63 =	vmul.f32 $6.400000000e+01, v58;
	[tilespmem:s26+$0x118C0] =	vst v44;
	v44 =	vor.u32 $0x80, v11;
	v11 =	vld.idx.msk [tilespmem:v11+s5+$0x0], $0xffff  }
0x34c: {  	v58 =	vld [tilespmem:s30+$0x8A40];
	v4 =	vadd.f32 v4, v43;
	v43 =	vmul.f32 $3.200000000e+01, v56;
	v56 =	vmul.f32 $1.600000000e+01, v59  }
0x34d: {  	v55 =	vand.u32 $0x7F, v5;
	v2 =	vadd.f32 v6, v2;
	v6 =	vld [tilespmem:s30+$0x88D0];
	v0 =	vadd.f32 v0, v61  }
0x34e: {  	v5 =	vshll.u32 v5, $0x1;
	v59 =	vld [tilespmem:s30+$0x8AC0];
	v56 =	vadd.f32 v56, v43;
	v43 =	vmul.f32 v40, v62  }
0x34f: {  	v1 =	vadd.f32 v63, v1;
	v63 =	vld [tilespmem:s30+$0x8BC0];
	v40 =	vmul.f32 v41, v62;
	v0 =	vtrunc.f32 v0  }
0x350: {  	v46 =	vld [tilespmem:s30+$0x8940];
	v5 =	vand.u32 $0xFFFFFF00, v5;
	v0 =	vcvt.f32.s32 v0;
	v11 =	vmul.f32 v11, v62  }
0x351: {  	[tilespmem:s0+$0x118E0] =	vst v50;
	v50 =	vld [tilespmem:s30+$0x8BE0];
	v61 =	vadd.f32 v49, v56;
	v49 =	vmul.f32 $2.560000000e+02, v57;
	v56 =	vmul.f32 $6.400000000e+01, v8  }
0x352: {  	[tilespmem:s26+$0x11820] =	vst v51;
	v51 =	vld [tilespmem:s30+$0xC860];
	v1 =	vadd.f32 v1, v4;
	v57 =	vmul.f32 $3.200000000e+01, v58;
	v6 =	vmul.f32 $2.560000000e+02, v6  }
0x353: {  	[tilespmem:s0+$0x118D0] =	vst v14;
	v41 =	vld [tilespmem:s30+$0xC8C0];
	v8 =	vadd.f32 v54, v54;
	v58 =	vmul.f32 $1.600000000e+01, v59;
	v59 =	vmul.f32 $8.000000000e+00, v60  }
0x354: {  	[tilespmem:s0+$0x11810] =	vst v47;
	v54 =	vld [tilespmem:s30+$0x8860];
	v60 =	vmul.f32 $4.000000000e+00, v63;
	v47 =	vadd.f32 v61, v1;
	v1 =	vor.u32 v55, v5  }
0x355: {  	[tilespmem:s0+$0x11890] =	vst v19;
	v5 =	vld [tilespmem:s30+$0x89D0];
	v55 =	vmul.f32 $1.280000000e+02, v46;
	v3 =	vadd.f32 v49, v3;
	v61 =	vshll.u32 v0, $0x1  }
0x356: {  	[tilespmem:s0+$0x11840] =	vst v20;
	v46 =	vld [tilespmem:s30+$0x8AD0];
	v0 =	vand.u32 $0x7F, v0;
	v4 =	vadd.f32 v58, v57;
	v20 =	vadd.f32 v60, v59  }
0x357: {  	[tilespmem:s0+$0x11850] =	vst v24;
	v49 =	vand.u32 $0xFFFFFF00, v61;
	v57 =	vld [tilespmem:s30+$0x88E0];
	v59 =	vmul.f32 $5.120000000e+02, v48;
	v2 =	vadd.f32 v47, v2  }
0x358: {  	[tilespmem:s0+$0x11860] =	vst v12;
	v58 =	vld [tilespmem:s30+$0x8960];
	v61 =	vmul.f32 $1.280000000e+02, v23;
	v19 =	vadd.f32 v56, v55;
	v56 =	vadd.f32 v41, v8  }
0x359: {  	s28 =	sshll.u32 s28, $0x8;
	[tilespmem:s0+$0x11870] =	vst v16;
	v47 =	vld [tilespmem:s30+$0x8B50];
	v4 =	vadd.f32 v20, v4;
	v12 =	vmul.f32 $5.120000000e+02, v54;
	v2 =	vtrunc.f32 v2  }
0x35a: {  	[tilespmem:s0+$0x118F0] =	vst v18;
	s0 =	sand.u32 $0x3FFFFF00, s28;
	v60 =	vld [tilespmem:s30+$0x89E0];
	v3 =	vadd.f32 v19, v3;
	v63 =	vcvt.f32.s32 v2;
	v2 =	vor.u32 v0, v49  }
0x35b: {  	[tilespmem:s0+$0x11800] =	vst v35;
	v48 =	vld [tilespmem:s30+$0x8B60];
	v5 =	vmul.f32 $6.400000000e+01, v5;
	v41 =	vmul.f32 $1.600000000e+01, v46;
	v49 =	vadd.f32 v22, v22  }
0x35c: {  	[tilespmem:s26+$0x11810] =	vst v53;
	v33 =	vld.idx.msk [tilespmem:v1+s5+$0x0], $0xffff;
	v1 =	vor.u32 $0x80, v1;
	v4 =	vadd.f32 v4, v3;
	v53 =	vmul.f32 $2.560000000e+02, v57  }
0x35d: {  	[tilespmem:s26+$0x11890] =	vst v52;
	v52 =	vld [tilespmem:s30+$0xC8E0];
	v54 =	vmul.f32 $1.280000000e+02, v58;
	v35 =	vor.u32 $0x80, v2;
	v55 =	vshll.u32 v63, $0x1  }
0x35e: {  	v19 =	vld [tilespmem:s30+$0xC8D0];
	v14 =	vand.u32 $0x7F, v63;
	v5 =	vadd.f32 v5, v61;
	v47 =	vmul.f32 $8.000000000e+00, v47  }
0x35f: {  	v46 =	vld [tilespmem:s30+$0x8AE0];
	v61 =	vmul.f32 $4.000000000e+00, v50;
	v50 =	vor.u32 $0x80, v26;
	v0 =	vand.u32 $0xFFFFFF00, v55  }
0x360: {  	[tilespmem:s26+$0x11850] =	vst v42;
	v63 =	vld [tilespmem:s30+$0x8A60];
	v4 =	vadd.f32 v4, v56;
	v55 =	vmul.f32 $6.400000000e+01, v60;
	v60 =	vmul.f32 $8.000000000e+00, v48  }
0x361: {  	[tilespmem:s26+$0x118E0] =	vst v15;
	v56 =	vld [tilespmem:s30+$0x8870];
	v12 =	vadd.f32 v53, v12;
	v48 =	vmul.f32 v32, v62;
	v53 =	vmul.f32 v28, v62  }
0x362: {  	[tilespmem:s26+$0x11870] =	vst v38;
	v3 =	vor.u32 v14, v0;
	v0 =	vadd.f32 v6, v59;
	v6 =	vadd.f32 v41, v39;
	v59 =	vld [tilespmem:s30+$0x88F0]  }
0x363: {  	[tilespmem:s26+$0x11800] =	vst v7;
	v7 =	vadd.f32 v21, v47;
	v8 =	vadd.f32 v19, v49;
	v39 =	vmul.f32 v34, v62;
	v41 =	vld [tilespmem:s30+$0x89F0]  }
0x364: {  	[tilespmem:s0+$0x11880] =	vst v36;
	v21 =	vadd.f32 v51, v51;
	v47 =	vld [tilespmem:s30+$0x8AF0];
	v58 =	vmul.f32 $1.600000000e+01, v46;
	v46 =	vmul.f32 v31, v62  }
0x365: {  	[tilespmem:s0+$0x11810] =	vst v37;
	v49 =	vld [tilespmem:s30+$0x8B70];
	v18 =	vadd.f32 v61, v60;
	v61 =	vmul.f32 $3.200000000e+01, v45;
	v4 =	vtrunc.f32 v4  }
0x366: {  	[tilespmem:s0+$0x118A0] =	vst v30;
	v60 =	vld [tilespmem:s30+$0xC870];
	v37 =	vmul.f32 v33, v62;
	v0 =	vadd.f32 v5, v0;
	v6 =	vadd.f32 v7, v6  }
0x367: {  	[tilespmem:s26+$0x118A0] =	vst v17;
	v5 =	vadd.f32 v55, v54;
	v51 =	vadd.f32 v52, v21;
	v52 =	vld [tilespmem:s30+$0x8BF0];
	v54 =	vmul.f32 v29, v62  }
0x368: {  	[tilespmem:s26+$0x11880] =	vst v10;
	v38 =	vor.u32 $0x80, v3;
	v4 =	vcvt.f32.s32 v4;
	v57 =	vmul.f32 $3.200000000e+01, v63;
	v63 =	vld [tilespmem:s30+$0x8970]  }
0x369: {  	[tilespmem:s26+$0x11830] =	vst v9;
	v1 =	vld.idx.msk [tilespmem:v1+s5+$0x0], $0xffff;
	v5 =	vadd.f32 v5, v12;
	v0 =	vadd.f32 v6, v0;
	v56 =	vmul.f32 $5.120000000e+02, v56  }
0x36a: {  	[tilespmem:s26+$0x118B0] =	vst v13;
	v2 =	vld.idx.msk [tilespmem:v2+s5+$0x0], $0xffff;
	v7 =	vadd.f32 v58, v57;
	v57 =	vmul.f32 $2.560000000e+02, v59;
	v9 =	vmul.f32 $6.400000000e+01, v41  }
0x36b: {  	[tilespmem:s26+$0x118D0] =	vst v43;
	v36 =	vshll.u32 v4, $0x1;
	v58 =	vld.idx.msk [tilespmem:v26+s5+$0x0], $0xffff;
	v12 =	vmul.f32 $1.600000000e+01, v47;
	v26 =	vmul.f32 v27, v62  }
0x36c: {  	[tilespmem:s26+$0x11860] =	vst v40;
	v29 =	vld [tilespmem:$0x1FF40];
	v0 =	vadd.f32 v0, v8;
	v14 =	vadd.f32 v60, v60;
	v17 =	vmul.f32 $4.000000000e+00, v52  }
0x36d: {  	[tilespmem:s0+$0x11830] =	vst v48;
	v27 =	vld [tilespmem:s30+$0xC8F0];
	v7 =	vadd.f32 v18, v7;
	v59 =	vmul.f32 $1.280000000e+02, v63;
	v63 =	vmul.f32 $8.000000000e+00, v49  }
0x36e: {  	[tilespmem:s0+$0x118B0] =	vst v53;
	v55 =	vld.idx.msk [tilespmem:v44+s5+$0x0], $0xffff;
	v4 =	vand.u32 $0x7F, v4;
	v13 =	vadd.f32 v57, v56;
	v12 =	vadd.f32 v12, v61  }
0x36f: {  	v42 =	vld.idx.msk [tilespmem:v35+s5+$0x0], $0xffff;
	v1 =	vmul.f32 v1, v62;
	v9 =	vadd.f32 v9, v59;
	v15 =	vadd.f32 v17, v63  }
0x370: {  	[tilespmem:s0+$0x11890] =	vst v39;
	v2 =	vmul.f32 v2, v62;
	v18 =	vmul.f32 v25, v62;
	v5 =	vadd.f32 v7, v5  }
0x371: {  	v32 =	vld [tilespmem:$0x1FF50];
	[tilespmem:s0+$0x11870] =	vst v11;
	v0 =	vtrunc.f32 v0;
	v9 =	vadd.f32 v9, v13;
	v12 =	vadd.f32 v15, v12  }
0x372: {  	s29 =	sshll.u32 s29, $0x8;
	[tilespmem:s0+$0x11820] =	vst v46;
	v20 =	vmul.f32 v29, v62;
	v0 =	vcvt.f32.s32 v0;
	v34 =	vadd.f32 v27, v14  }
0x373: {  	[tilespmem:s0+$0x11840] =	vst v54;
	s30 =	sand.u32 $0x3FFFFF00, s29;
	v8 =	vmul.f32 v55, v62;
	v5 =	vadd.f32 v5, v51;
	v9 =	vadd.f32 v12, v9  }
0x374: {  	[tilespmem:s30+$0x11810] =	vst v37;
	v48 =	vmul.f32 v42, v62;
	v40 =	vshll.u32 v0, $0x1;
	v0 =	vand.u32 $0x7F, v0  }
0x375: {  	v6 =	vld.idx.msk [tilespmem:v50+s5+$0x0], $0xffff;
	[tilespmem:s0+$0x11850] =	vst v26;
	v41 =	vand.u32 $0xFFFFFF00, v40;
	v5 =	vtrunc.f32 v5;
	v7 =	vadd.f32 v9, v34  }
0x376: {  	[tilespmem:s30+$0x11890] =	vst v1;
	v13 =	vmul.f32 v32, v62;
	v0 =	vor.u32 v0, v41;
	v5 =	vcvt.f32.s32 v5  }
0x377: {  	v28 =	vld [tilespmem:$0x1FF30];
	[tilespmem:s30+$0x11820] =	vst v2;
	v12 =	vand.u32 $0xFFFFFF00, v36;
	v44 =	vor.u32 $0x80, v0;
	v7 =	vtrunc.f32 v7  }
0x378: {  	[tilespmem:s0+$0x118C0] =	vst v18;
	v4 =	vor.u32 v4, v12;
	v43 =	vshll.u32 v5, $0x1;
	v7 =	vcvt.f32.s32 v7  }
0x379: {  	v3 =	vld.idx.msk [tilespmem:v3+s5+$0x0], $0xffff;
	[tilespmem:s0+$0x118E0] =	vst v13;
	v39 =	vor.u32 $0x80, v4;
	v5 =	vand.u32 $0x7F, v5;
	v13 =	vand.u32 $0xFFFFFF00, v43  }
0x37a: {  	v45 =	vld.idx.msk [tilespmem:v38+s5+$0x0], $0xffff;
	v6 =	vmul.f32 v6, v62;
	[tilespmem:s0+$0x11860] =	vst v20;
	v5 =	vor.u32 v5, v13;
	v46 =	vshll.u32 v7, $0x1  }
0x37b: {  	[tilespmem:s0+$0x118F0] =	vst v8;
	v0 =	vld.idx.msk [tilespmem:v0+s5+$0x0], $0xffff;
	v47 =	vor.u32 $0x80, v5;
	v7 =	vand.u32 $0x7F, v7;
	v13 =	vand.u32 $0xFFFFFF00, v46  }
0x37c: {  	[tilespmem:s30+$0x118A0] =	vst v48;
	v17 =	vmul.f32 v28, v62;
	v51 =	vld.idx.msk [tilespmem:v44+s5+$0x0], $0xffff;
	v7 =	vor.u32 v7, v13  }
0x37d: {  	v10 =	vmul.f32 v58, v62;
	[tilespmem:s30+$0x11880] =	vst v6;
	v4 =	vld.idx.msk [tilespmem:v4+s5+$0x0], $0xffff;
	v49 =	vor.u32 $0x80, v7  }
0x37e: {  	v50 =	vmul.f32 v3, v62;
	[tilespmem:s0+$0x118D0] =	vst v17;
	v9 =	vld.idx.msk [tilespmem:v39+s5+$0x0], $0xffff  }
0x37f: {  	v52 =	vmul.f32 v45, v62;
	[tilespmem:s30+$0x11800] =	vst v10;
	v5 =	vld.idx.msk [tilespmem:v5+s5+$0x0], $0xffff  }
0x380: {  	[tilespmem:s30+$0x11830] =	vst v50;
	v0 =	vmul.f32 v0, v62;
	v54 =	vld.idx.msk [tilespmem:v47+s5+$0x0], $0xffff  }
0x381: {  	[tilespmem:s30+$0x118B0] =	vst v52;
	v58 =	vmul.f32 v51, v62;
	v56 =	vld.idx.msk [tilespmem:v7+s5+$0x0], $0xffff  }
0x382: {  	v53 =	vmul.f32 v4, v62;
	[tilespmem:s30+$0x11850] =	vst v0;
	v57 =	vld.idx.msk [tilespmem:v49+s5+$0x0], $0xffff  }
0x383: {  	v55 =	vmul.f32 v9, v62;
	[tilespmem:s30+$0x118D0] =	vst v58  }
0x384: {  	p0 =	slt.u32 s25, $0x60;
	[tilespmem:s30+$0x11840] =	vst v53;
	v59 =	vmul.f32 v5, v62  }
.Ltmp5:
0x385: {  	[tilespmem:s30+$0x118C0] =	vst v55;
	v60 =	vmul.f32 v54, v62;
	(pc) =	sbr.rel @p0 .LBB2_11-.Ltmp5, $4  }
0x386: {  	[tilespmem:s30+$0x11860] =	vst v59;
	v61 =	vmul.f32 v56, v62  }
0x387: {  	[tilespmem:s30+$0x118E0] =	vst v60;
	v63 =	vmul.f32 v57, v62  }
0x388: {  	s31 =	sadd.s32 $0x20, s25;
	[tilespmem:s30+$0x11870] =	vst v61  }
0x389: {  	s25 =	smov.u32 s31;
	[tilespmem:s30+$0x118F0] =	vst v63  }
0x38a: {  	p0 =	sne.s32 s23, $0x8  }
.Ltmp6:
0x38b: {  	_ = 	snop;
	(pc) =	sbr.rel @p0 .LBB2_4-.Ltmp6, $4  }
0x38c: {  	_ = 	snop  }
0x38d: {  	s0 =	sshrl.u32 s24, $0x2  }
0x38e: {  	s0 =	sadd.s32 s3, s0  }
0x38f: {  	[hbm4b:s0+s5] =	stream.linear.scatter [tilespmem:s20], [sflag:$0x4], $0x1000, $0x38;
	[tilespmem:$0x12800] =	vst v63  }
0x390: {  	s22 =	sadd.s32 $0x1, s22  }
0x391: {  	_ =	swait.ge [sflag:s21], $0x1000;
	p0 =	sne.s32 s22, s9  }
.Ltmp7:
0x392: {  	[sflag:s21] =	ssyncset.done $0x0;
	(pc) =	sbr.rel @p0 .LBB2_1-.Ltmp7, $4  }
0x393: {  	[sflag:s21] =	ssyncadd.s32 $0xFFFFF000  }
0x394: {  	_ =	swait.ge [sflag:s19], $0x1000  }
0x395: {  	[sflag:s19] =	ssyncset.done $0x0  }
0x396: {  	[sflag:s19] =	ssyncadd.s32 $0xFFFFF000  }
0x397: {  	_ =	sfence.sel $0x180000  }
0x398: {  	[bflag:$0x0] =	sbarrier.arrive $0xFFFF  }
0x399: {  	_ =	strace $0x90000047  }
0x39a: {  	[bflag:$0x2] =	sbarrier.arrive $0xFFFF  }
0x39b: {  	p0 =	sne.s32 s4, $0x0;
	s0 =	rddreg [dreg:$0x3]  }
0x39c: {  	s0 =	sadd.s32 @!p0 $0x100000, s0  }
0x39d: {  	[sflag:s0] =	ssyncadd.tile.s32 @!p0 $0x1;
	_ =	shalt  }
.Lfunc_end2:
_tile_overlayer_lowered:
.L_overlay_start_2:
0x39e: {  	(tag) =	ssettag $0x2  }
0x39f: {  	s0 =	rddreg [dreg:$0x0];
	s2 =	stileid.u32  }
0x3a0: {  	s1 =	rddreg [dreg:$0x1];
	p0 =	sne.s32 s2, $0x0  }
0x3a1: {  	s3 =	rddreg [dreg:$0x2];
	[bflag:$0x3] =	sbarrier.arrive $0xFFFF;
	s2 =	simm.s32 @!p0 $0x1C05  }
0x3a2: {  	[timem:s3], [sflag:s2] =	dma.local @!p0 [hbm:s0], s1  }
0x3a3: {  	s0 =	simm.s32 @!p0 $0x5  }
0x3a4: {  	_ =	swait.ge @!p0 [sflag:s0], s1  }
0x3a5: {  	s1 =	ssub.s32 @!p0 $0x0, s1;
	[sflag:s0] =	ssyncset.done @!p0 $0x0  }
0x3a6: {  	[sflag:s0] =	ssyncadd.s32 @!p0 s1  }
0x3a7: {  	[bflag:$0x3] =	sbarrier.arrive $0xFFFF  }
0x3a8: {  	_ =	shalt  }

</sc_bundles>
